<compile_context>
chip_gen: v7x
topology: tpu7x:2x2x1
jax: 0.10.2.dev20260603
libtpu: 0.0.44.dev20260713+nightly
codegen_flags: <defaults>
</compile_context>

<pallas_src>
import functools

import jax
import jax.numpy as jnp
from jax import lax
from jax.experimental import pallas as pl
from jax.experimental.pallas import tpu as pltpu
from jax.experimental.pallas import tpu_sc as plsc

NC = 2
NS = 16
BATCH = 128
BN = 1024


def _table_x_kernel(x_ref, w_ref, b_ref, out_ref):
    i = pl.program_id(0)
    nblk = pl.num_programs(0) - 1

    @pl.when(i < nblk)
    def _():
        h = x_ref[...]
        prod = h[:, None, :] * w_ref[...][None, :, :]
        out_ref[...] = prod.reshape(out_ref.shape)

    @pl.when(i == nblk)
    def _():
        nl = b_ref.shape[0]
        z = jnp.zeros((out_ref.shape[0] - nl, out_ref.shape[1]), jnp.float32)
        out_ref[...] = jnp.concatenate([b_ref[...], z], axis=0)


def _table_h_kernel(p0_ref, p1_ref, w_ref, b_ref, out_ref):
    i = pl.program_id(0)
    nblk = pl.num_programs(0) - 1

    @pl.when(i < nblk)
    def _():
        h = jnp.tanh(p0_ref[...] + p1_ref[...])
        prod = h[:, None, :] * w_ref[...][None, :, :]
        out_ref[...] = prod.reshape(out_ref.shape)

    @pl.when(i == nblk)
    def _():
        nl = b_ref.shape[0]
        z = jnp.zeros((out_ref.shape[0] - nl, out_ref.shape[1]), jnp.float32)
        out_ref[...] = jnp.concatenate([b_ref[...], z], axis=0)


def _build_table(h_or_p, W, b, *, from_partials):
    el, d = W.shape
    if from_partials:
        p0, p1 = h_or_p
        n = p0.shape[0]
    else:
        n = h_or_p.shape[0]
    nblk = n // BN
    rows = el * n + el * BN
    x_map = lambda i: (jnp.minimum(i, nblk - 1), 0)
    full2 = lambda i: (0, 0)
    if from_partials:
        body = _table_h_kernel
        in_specs = [
            pl.BlockSpec((BN, d), x_map),
            pl.BlockSpec((BN, d), x_map),
            pl.BlockSpec(W.shape, full2),
            pl.BlockSpec(b.shape, full2),
        ]
        args = (p0, p1, W, b)
    else:
        body = _table_x_kernel
        in_specs = [
            pl.BlockSpec((BN, d), x_map),
            pl.BlockSpec(W.shape, full2),
            pl.BlockSpec(b.shape, full2),
        ]
        args = (h_or_p, W, b)
    return pl.pallas_call(
        body,
        grid=(nblk + 1,),
        in_specs=in_specs,
        out_specs=pl.BlockSpec((el * BN, d), lambda i: (i, 0)),
        out_shape=jax.ShapeDtypeStruct((rows, d), jnp.float32),
    )(*args)


def _conv_sc(table, gidx, dstidx, n, d, nb, st0):
    rows_per_tile = n // NS
    stages = [(0, st0)] if nb <= st0 else [(0, st0), (st0, nb - st0)]

    @functools.partial(
        pl.kernel,
        out_type=jax.ShapeDtypeStruct((NC, n, d), jnp.float32),
        mesh=plsc.VectorSubcoreMesh(core_axis_name="c", subcore_axis_name="s"),
        scratch_types=[
            pltpu.VMEM((st0, BATCH), jnp.int32),
            pltpu.VMEM((st0, BATCH), jnp.int32),
            pltpu.VMEM((BATCH, d), jnp.float32),
            pltpu.VMEM((BATCH, d), jnp.float32),
            pltpu.VMEM_SHARED((n, d), jnp.float32),
            pltpu.SemaphoreType.DMA,
            pltpu.SemaphoreType.DMA,
        ],
    )
    def conv(table_hbm, gidx_hbm, dst_hbm, out_hbm, idx_v, dst_v,
             buf0, buf1, acc, sem0, sem1):
        c = lax.axis_index("c")
        s = lax.axis_index("s")
        w = c * NS + s

        def zrow(r, carry):
            for jj in range(d // 16):
                buf0[r, pl.ds(jj * 16, 16)] = jnp.zeros((16,), jnp.float32)
            return carry
        lax.fori_loop(0, BATCH, zrow, 0)
        base = s * rows_per_tile
        for k in range(rows_per_tile // BATCH):
            pltpu.sync_copy(buf0, acc.at[pl.ds(base + k * BATCH, BATCH)])
        plsc.subcore_barrier()

        for off, cnt in stages:
            pltpu.sync_copy(gidx_hbm.at[w, pl.ds(off, cnt)],
                            idx_v.at[pl.ds(0, cnt)])
            pltpu.sync_copy(dst_hbm.at[w, pl.ds(off, cnt)],
                            dst_v.at[pl.ds(0, cnt)])
            pltpu.async_copy(table_hbm.at[idx_v.at[0]], buf0, sem0)

            def pair(j2, carry):
                j0 = 2 * j2
                pltpu.async_copy(table_hbm.at[idx_v.at[j0 + 1]], buf1, sem1)
                pltpu.make_async_copy(table_hbm.at[idx_v.at[j0]],
                                      buf0, sem0).wait()
                pltpu.sync_copy(buf0, acc.at[dst_v.at[j0]], add=True)

                @pl.when(j0 + 2 < cnt)
                def _():
                    pltpu.async_copy(table_hbm.at[idx_v.at[j0 + 2]],
                                     buf0, sem0)

                pltpu.make_async_copy(table_hbm.at[idx_v.at[j0 + 1]],
                                      buf1, sem1).wait()
                pltpu.sync_copy(buf1, acc.at[dst_v.at[j0 + 1]], add=True)
                return carry
            lax.fori_loop(0, cnt // 2, pair, 0)
        plsc.subcore_barrier()

        pltpu.sync_copy(acc.at[pl.ds(base, rows_per_tile)],
                        out_hbm.at[c, pl.ds(base, rows_per_tile)])

    return conv(table, gidx, dstidx)


def _head_kernel(p0_ref, p1_ref, oh_ref, wr_ref, br_ref,
                 w1_ref, w2_ref, w3_ref, out_ref):
    h = jnp.tanh(p0_ref[...] + p1_ref[...])
    nl = wr_ref.shape[0]
    hd = wr_ref.shape[2]
    acc = jnp.zeros((h.shape[0], hd), jnp.float32)
    for l in range(nl):
        y = lax.dot(h, wr_ref[l], preferred_element_type=jnp.float32)
        acc = acc + oh_ref[:, l:l + 1] * y
    z = jnp.tanh(acc + br_ref[...])
    z = jnp.tanh(lax.dot(z, w1_ref[...], preferred_element_type=jnp.float32))
    z = jnp.tanh(lax.dot(z, w2_ref[...], preferred_element_type=jnp.float32))
    out_ref[...] = jax.nn.sigmoid(
        lax.dot(z, w3_ref[...], preferred_element_type=jnp.float32))


def _head(p0, p1, oh, Wr, br, Wfc1, Wfc2, Wfc3):
    n, d = p0.shape
    nl, _, hd = Wr.shape
    nblk = n // BN
    blk2 = lambda i: (i, 0)
    full2 = lambda i: (0, 0)
    return pl.pallas_call(
        _head_kernel,
        grid=(nblk,),
        in_specs=[
            pl.BlockSpec((BN, d), blk2),
            pl.BlockSpec((BN, d), blk2),
            pl.BlockSpec((BN, nl), blk2),
            pl.BlockSpec(Wr.shape, lambda i: (0, 0, 0)),
            pl.BlockSpec((1, hd), full2),
            pl.BlockSpec(Wfc1.shape, full2),
            pl.BlockSpec(Wfc2.shape, full2),
            pl.BlockSpec(Wfc3.shape, full2),
        ],
        out_specs=pl.BlockSpec((BN, 1), blk2),
        out_shape=jax.ShapeDtypeStruct((n, 1), jnp.float32),
    )(p0, p1, oh, Wr, br.reshape(1, hd), Wfc1, Wfc2, Wfc3)


def kernel(x, pos, edge_index, edge_labels, node_labels,
           W1, b1, W2, b2, Wr, br, Wfc1, Wfc2, Wfc3):
    n, d = x.shape
    e = edge_index.shape[1]
    el = W1.shape[0]
    nl = b1.shape[0]
    hd = Wr.shape[2]

    src = edge_index[0].astype(jnp.int32)
    dst = edge_index[1].astype(jnp.int32)

    npad = -(-n // (NS * BATCH)) * (NS * BATCH)
    x = jnp.pad(x, ((0, npad - n), (0, 0)))

    ntiles = NC * NS
    total = e + n
    nb = -(-total // (ntiles * BATCH))
    nb = -(-nb // 8) * 8
    st0 = -(-(nb // 2) // 8) * 8
    cap = ntiles * nb * BATCH
    pad = cap - total
    gidx = jnp.concatenate([
        src * el + edge_labels.astype(jnp.int32),
        el * npad + node_labels.astype(jnp.int32),
        jnp.full((pad,), el * npad + nl, jnp.int32),
    ]).reshape(ntiles, nb, BATCH)
    dstidx = jnp.concatenate([
        dst,
        jnp.arange(n, dtype=jnp.int32),
        jnp.arange(pad, dtype=jnp.int32) % n,
    ]).reshape(ntiles, nb, BATCH)
    table1 = _build_table(x, W1, b1, from_partials=False)
    p1 = _conv_sc(table1, gidx, dstidx, npad, d, nb, st0)
    table2 = _build_table((p1[0], p1[1]), W2, b2, from_partials=True)
    p2 = _conv_sc(table2, gidx, dstidx, npad, d, nb, st0)

    nlp = jnp.pad(node_labels, (0, npad - n), constant_values=nl)
    oh = (nlp[:, None] == jnp.arange(nl)[None, :]).astype(jnp.float32)
    return _head(p2[0], p2[1], oh, Wr, br, Wfc1, Wfc2, Wfc3)[:n]

# --- scband reference (transcript-rebuilt; emitter-appended) ---
"""Pipeline reference for scband-graph-net-90022514524776 (READ-ONLY COPY).

The authoritative reference and input builder live on the scoring server;
editing this copy changes nothing except your own understanding.
"""

import jax, jax.numpy as jnp
import numpy as np

N = 10000
E = 320000
D = 128
NL = 8
EL = 4
H = 20

def setup_inputs(seed: int = 0) -> dict:
    key = jax.random.key(seed)
    ks = jax.random.split(key, 14)
    x = jax.random.normal(ks[0], (N, D), dtype=jnp.float32)
    pos = 0
    edge_index = jax.random.randint(ks[1], (2, E), 0, N)
    edge_labels = jax.random.randint(ks[2], (E,), 0, EL)
    node_labels = jax.random.randint(ks[3], (N,), 0, NL)
    # GraphConvLayer weights: shared by edge label (weight_rule_graphs_edge),
    # bias shared by node label (bias_rule_graphs)
    W1 = jax.random.normal(ks[4], (EL, D), dtype=jnp.float32) * 0.1
    b1 = jax.random.normal(ks[5], (NL, D), dtype=jnp.float32) * 0.1
    W2 = jax.random.normal(ks[6], (EL, D), dtype=jnp.float32) * 0.1
    b2 = jax.random.normal(ks[7], (NL, D), dtype=jnp.float32) * 0.1
    # GraphResizeLayer: projection shared by node label (w_resize_distribution_rule)
    Wr = jax.random.normal(ks[8], (NL, D, H), dtype=jnp.float32) * (1.0 / np.sqrt(D))
    br = jax.random.normal(ks[9], (H,), dtype=jnp.float32) * 0.1
    Wfc1 = jax.random.normal(ks[10], (H, H), dtype=jnp.float32) * (1.0 / np.sqrt(H))
    Wfc2 = jax.random.normal(ks[11], (H, H), dtype=jnp.float32) * (1.0 / np.sqrt(H))
    Wfc3 = jax.random.normal(ks[12], (H, 1), dtype=jnp.float32) * (1.0 / np.sqrt(H))
    return {"x": x, "pos": pos, "edge_index": edge_index, "edge_labels": edge_labels,
            "node_labels": node_labels, "W1": W1, "b1": b1, "W2": W2, "b2": b2,
            "Wr": Wr, "br": br, "Wfc1": Wfc1, "Wfc2": Wfc2, "Wfc3": Wfc3}

def reference(x, pos, edge_index, edge_labels, node_labels,
              W1, b1, W2, b2, Wr, br, Wfc1, Wfc2, Wfc3):
    # pos selects which graph in graph_data; we materialize a single graph, so it is unused
    n = x.shape[0]
    src = edge_index[0]
    dst = edge_index[1]
    ew1 = W1[edge_labels]
    ew2 = W2[edge_labels]
    nb1 = b1[node_labels]
    nb2 = b2[node_labels]

    def conv(h, ew, nb):
        msg = ew * h[src]                                   # gather + per-edge-label weight
        agg = jax.ops.segment_sum(msg, dst, num_segments=n)  # scatter-add to dst nodes
        return jnp.tanh(agg + nb)

    h = conv(x, ew1, nb1)   # l1 + tanh
    h = conv(h, ew2, nb2)   # l2 + tanh
    # resize layer: per-node-label projection D -> 20
    h = jnp.tanh(jnp.einsum('nd,ndh->nh', h, Wr[node_labels]) + br)
    h = jnp.tanh(h @ Wfc1)
    h = jnp.tanh(h @ Wfc2)
    out = jax.nn.sigmoid(h @ Wfc3)
    return out

if __name__ == "__main__":
    import jax
    _d = setup_inputs()
    print(jax.jit(kernel)(*tuple(_d.values())))

</pallas_src>

<mosaic_0001>
#map = affine_map<(d0, d1) -> (0, 0)>
#map1 = affine_map<(d0, d1) -> (0, 0, 0)>
module attributes {stable_mosaic.version = 14 : i64} {
  func.func @conv(%arg0: i32, %arg1: i32, %arg2: memref<45056x128xf32, #tpu.memory_space<hbm>>, %arg3: memref<32x88x128xi32, #tpu.memory_space<hbm>>, %arg4: memref<32x88x128xi32, #tpu.memory_space<hbm>>, %arg5: memref<2x10240x128xf32, #tpu.memory_space<hbm>>, %arg6: memref<48x128xi32, #tpu.memory_space<vmem>>, %arg7: memref<48x128xi32, #tpu.memory_space<vmem>>, %arg8: memref<128x128xf32, #tpu.memory_space<vmem>>, %arg9: memref<128x128xf32, #tpu.memory_space<vmem>>, %arg10: memref<10240x128xf32, #tpu.memory_space<vmem_shared>>, %arg11: memref<!tpu.dma_semaphore, #tpu.memory_space<semaphore_mem>>, %arg12: memref<!tpu.dma_semaphore, #tpu.memory_space<semaphore_mem>>) attributes {dimension_semantics = [#tpu.dimension_semantics<core_parallel>, #tpu.dimension_semantics<subcore_parallel>], iteration_bounds = array<i64: 2, 16>, scalar_prefetch = 0 : i64, scratch_operands = 7 : i64, tpu.core_type = #tpu.core_type<sc_vector_subcore>, window_params = [{transform_indices = #map}, {transform_indices = #map1}, {transform_indices = #map1}, {transform_indices = #map1}]} {
    %mul3A = arith.constant 16 : i32
    %mul3A_0 = arith.muli %arg0, %mul3A : i32
    %add3A = arith.addi %mul3A_0, %arg1 : i32
    %scan3A = arith.constant 0 : i32
    %scan3A_1 = arith.constant 0 : i32
    %scan3A_2 = arith.constant 128 : i32
    %scan3A_3 = arith.addi %scan3A_1, %scan3A_2 : i32
    %scan3A_4 = arith.constant 1 : i32
    scf.for %scan3A_44 = %scan3A_1 to %scan3A_3 step %scan3A_4  : i32 {
      %broadcast_in_dim3A = arith.constant 0.000000e+00 : f32
      %broadcast_in_dim3A_45 = vector.broadcast %broadcast_in_dim3A : f32 to vector<16xf32>
      %swap3A = arith.index_cast %scan3A_44 : i32 to index
      %swap3A_46 = arith.constant 0 : index
      %swap3A_47 = tpu.vector_load %arg8[%swap3A, %swap3A_46] {strides = array<i32>} : memref<128x128xf32, #tpu.memory_space<vmem>>, vector<1x16xf32>,
      %swap3A_48 = vector.shape_cast %swap3A_47 : vector<1x16xf32> to vector<16xf32>
      %swap3A_49 = vector.shape_cast %broadcast_in_dim3A_45 : vector<16xf32> to vector<1x16xf32>
      tpu.vector_store %arg8[%swap3A, %swap3A_46], %swap3A_49 {strides = array<i32>} : memref<128x128xf32, #tpu.memory_space<vmem>>, vector<1x16xf32>,
      %broadcast_in_dim3A_50 = arith.constant 0.000000e+00 : f32
      %broadcast_in_dim3A_51 = vector.broadcast %broadcast_in_dim3A_50 : f32 to vector<16xf32>
      %swap3A_52 = arith.index_cast %scan3A_44 : i32 to index
      %swap3A_53 = arith.constant 16 : index
      %swap3A_54 = tpu.vector_load %arg8[%swap3A_52, %swap3A_53] {strides = array<i32>} : memref<128x128xf32, #tpu.memory_space<vmem>>, vector<1x16xf32>,
      %swap3A_55 = vector.shape_cast %swap3A_54 : vector<1x16xf32> to vector<16xf32>
      %swap3A_56 = vector.shape_cast %broadcast_in_dim3A_51 : vector<16xf32> to vector<1x16xf32>
      tpu.vector_store %arg8[%swap3A_52, %swap3A_53], %swap3A_56 {strides = array<i32>} : memref<128x128xf32, #tpu.memory_space<vmem>>, vector<1x16xf32>,
      %broadcast_in_dim3A_57 = arith.constant 0.000000e+00 : f32
      %broadcast_in_dim3A_58 = vector.broadcast %broadcast_in_dim3A_57 : f32 to vector<16xf32>
      %swap3A_59 = arith.index_cast %scan3A_44 : i32 to index
      %swap3A_60 = arith.constant 32 : index
      %swap3A_61 = tpu.vector_load %arg8[%swap3A_59, %swap3A_60] {strides = array<i32>} : memref<128x128xf32, #tpu.memory_space<vmem>>, vector<1x16xf32>,
      %swap3A_62 = vector.shape_cast %swap3A_61 : vector<1x16xf32> to vector<16xf32>
      %swap3A_63 = vector.shape_cast %broadcast_in_dim3A_58 : vector<16xf32> to vector<1x16xf32>
      tpu.vector_store %arg8[%swap3A_59, %swap3A_60], %swap3A_63 {strides = array<i32>} : memref<128x128xf32, #tpu.memory_space<vmem>>, vector<1x16xf32>,
      %broadcast_in_dim3A_64 = arith.constant 0.000000e+00 : f32
      %broadcast_in_dim3A_65 = vector.broadcast %broadcast_in_dim3A_64 : f32 to vector<16xf32>
      %swap3A_66 = arith.index_cast %scan3A_44 : i32 to index
      %swap3A_67 = arith.constant 48 : index
      %swap3A_68 = tpu.vector_load %arg8[%swap3A_66, %swap3A_67] {strides = array<i32>} : memref<128x128xf32, #tpu.memory_space<vmem>>, vector<1x16xf32>,
      %swap3A_69 = vector.shape_cast %swap3A_68 : vector<1x16xf32> to vector<16xf32>
      %swap3A_70 = vector.shape_cast %broadcast_in_dim3A_65 : vector<16xf32> to vector<1x16xf32>
      tpu.vector_store %arg8[%swap3A_66, %swap3A_67], %swap3A_70 {strides = array<i32>} : memref<128x128xf32, #tpu.memory_space<vmem>>, vector<1x16xf32>,
      %broadcast_in_dim3A_71 = arith.constant 0.000000e+00 : f32
      %broadcast_in_dim3A_72 = vector.broadcast %broadcast_in_dim3A_71 : f32 to vector<16xf32>
      %swap3A_73 = arith.index_cast %scan3A_44 : i32 to index
      %swap3A_74 = arith.constant 64 : index
      %swap3A_75 = tpu.vector_load %arg8[%swap3A_73, %swap3A_74] {strides = array<i32>} : memref<128x128xf32, #tpu.memory_space<vmem>>, vector<1x16xf32>,
      %swap3A_76 = vector.shape_cast %swap3A_75 : vector<1x16xf32> to vector<16xf32>
      %swap3A_77 = vector.shape_cast %broadcast_in_dim3A_72 : vector<16xf32> to vector<1x16xf32>
      tpu.vector_store %arg8[%swap3A_73, %swap3A_74], %swap3A_77 {strides = array<i32>} : memref<128x128xf32, #tpu.memory_space<vmem>>, vector<1x16xf32>,
      %broadcast_in_dim3A_78 = arith.constant 0.000000e+00 : f32
      %broadcast_in_dim3A_79 = vector.broadcast %broadcast_in_dim3A_78 : f32 to vector<16xf32>
      %swap3A_80 = arith.index_cast %scan3A_44 : i32 to index
      %swap3A_81 = arith.constant 80 : index
      %swap3A_82 = tpu.vector_load %arg8[%swap3A_80, %swap3A_81] {strides = array<i32>} : memref<128x128xf32, #tpu.memory_space<vmem>>, vector<1x16xf32>,
      %swap3A_83 = vector.shape_cast %swap3A_82 : vector<1x16xf32> to vector<16xf32>
      %swap3A_84 = vector.shape_cast %broadcast_in_dim3A_79 : vector<16xf32> to vector<1x16xf32>
      tpu.vector_store %arg8[%swap3A_80, %swap3A_81], %swap3A_84 {strides = array<i32>} : memref<128x128xf32, #tpu.memory_space<vmem>>, vector<1x16xf32>,
      %broadcast_in_dim3A_85 = arith.constant 0.000000e+00 : f32
      %broadcast_in_dim3A_86 = vector.broadcast %broadcast_in_dim3A_85 : f32 to vector<16xf32>
      %swap3A_87 = arith.index_cast %scan3A_44 : i32 to index
      %swap3A_88 = arith.constant 96 : index
      %swap3A_89 = tpu.vector_load %arg8[%swap3A_87, %swap3A_88] {strides = array<i32>} : memref<128x128xf32, #tpu.memory_space<vmem>>, vector<1x16xf32>,
      %swap3A_90 = vector.shape_cast %swap3A_89 : vector<1x16xf32> to vector<16xf32>
      %swap3A_91 = vector.shape_cast %broadcast_in_dim3A_86 : vector<16xf32> to vector<1x16xf32>
      tpu.vector_store %arg8[%swap3A_87, %swap3A_88], %swap3A_91 {strides = array<i32>} : memref<128x128xf32, #tpu.memory_space<vmem>>, vector<1x16xf32>,
      %broadcast_in_dim3A_92 = arith.constant 0.000000e+00 : f32
      %broadcast_in_dim3A_93 = vector.broadcast %broadcast_in_dim3A_92 : f32 to vector<16xf32>
      %swap3A_94 = arith.index_cast %scan3A_44 : i32 to index
      %swap3A_95 = arith.constant 112 : index
      %swap3A_96 = tpu.vector_load %arg8[%swap3A_94, %swap3A_95] {strides = array<i32>} : memref<128x128xf32, #tpu.memory_space<vmem>>, vector<1x16xf32>,
      %swap3A_97 = vector.shape_cast %swap3A_96 : vector<1x16xf32> to vector<16xf32>
      %swap3A_98 = vector.shape_cast %broadcast_in_dim3A_93 : vector<16xf32> to vector<1x16xf32>
      tpu.vector_store %arg8[%swap3A_94, %swap3A_95], %swap3A_98 {strides = array<i32>} : memref<128x128xf32, #tpu.memory_space<vmem>>, vector<1x16xf32>,
    }
    %scan3A_5 = arith.constant 128 : i32
    %mul3A_6 = arith.constant 640 : i32
    %mul3A_7 = arith.muli %arg1, %mul3A_6 : i32
    %add3A_8 = arith.constant 0 : i32
    %add3A_9 = arith.addi %mul3A_7, %add3A_8 : i32
    "tpu.region"() ({
      %run_scoped3A = tpu.sem_alloc : memref<!tpu.dma_semaphore, #tpu.memory_space<semaphore_mem>>
      %dma_start3A_44 = arith.constant 0 : i32
      %dma_start3A_45 = tpu.memref_slice %arg10[%add3A_9, %dma_start3A_44] : memref<10240x128xf32, #tpu.memory_space<vmem_shared>> -> memref<128x128xf32, #tpu.memory_space<vmem_shared>>
      %dma_start3A_46 = arith.constant 0 : i32
      %dma_start3A_47 = tpu.memref_slice %arg10[%add3A_9, %dma_start3A_46] : memref<10240x128xf32, #tpu.memory_space<vmem_shared>> -> memref<128x128xf32, #tpu.memory_space<vmem_shared>>
      tpu.enqueue_dma source(%arg8 : memref<128x128xf32, #tpu.memory_space<vmem>>) target(%dma_start3A_47 : memref<128x128xf32, #tpu.memory_space<vmem_shared>>) target_semaphore(%run_scoped3A : memref<!tpu.dma_semaphore, #tpu.memory_space<semaphore_mem>>)
      %dma_wait3A = arith.constant 0 : i32
      %dma_wait3A_48 = tpu.memref_slice %arg10[%add3A_9, %dma_wait3A] : memref<10240x128xf32, #tpu.memory_space<vmem_shared>> -> memref<128x128xf32, #tpu.memory_space<vmem_shared>>
      %dma_wait3A_49 = arith.constant 0 : i32
      %dma_wait3A_50 = tpu.memref_slice %arg10[%add3A_9, %dma_wait3A_49] : memref<10240x128xf32, #tpu.memory_space<vmem_shared>> -> memref<128x128xf32, #tpu.memory_space<vmem_shared>>
      tpu.wait_dma2 semaphore(%run_scoped3A : memref<!tpu.dma_semaphore, #tpu.memory_space<semaphore_mem>>) src(%arg8 : memref<128x128xf32, #tpu.memory_space<vmem>>) dst(%dma_wait3A_50 : memref<128x128xf32, #tpu.memory_space<vmem_shared>>)
      tpu.yield
    }) : () -> ()
    %add3A_10 = arith.constant 128 : i32
    %add3A_11 = arith.addi %mul3A_7, %add3A_10 : i32
    "tpu.region"() ({
      %run_scoped3A = tpu.sem_alloc : memref<!tpu.dma_semaphore, #tpu.memory_space<semaphore_mem>>
      %dma_start3A_44 = arith.constant 0 : i32
      %dma_start3A_45 = tpu.memref_slice %arg10[%add3A_11, %dma_start3A_44] : memref<10240x128xf32, #tpu.memory_space<vmem_shared>> -> memref<128x128xf32, #tpu.memory_space<vmem_shared>>
      %dma_start3A_46 = arith.constant 0 : i32
      %dma_start3A_47 = tpu.memref_slice %arg10[%add3A_11, %dma_start3A_46] : memref<10240x128xf32, #tpu.memory_space<vmem_shared>> -> memref<128x128xf32, #tpu.memory_space<vmem_shared>>
      tpu.enqueue_dma source(%arg8 : memref<128x128xf32, #tpu.memory_space<vmem>>) target(%dma_start3A_47 : memref<128x128xf32, #tpu.memory_space<vmem_shared>>) target_semaphore(%run_scoped3A : memref<!tpu.dma_semaphore, #tpu.memory_space<semaphore_mem>>)
      %dma_wait3A = arith.constant 0 : i32
      %dma_wait3A_48 = tpu.memref_slice %arg10[%add3A_11, %dma_wait3A] : memref<10240x128xf32, #tpu.memory_space<vmem_shared>> -> memref<128x128xf32, #tpu.memory_space<vmem_shared>>
      %dma_wait3A_49 = arith.constant 0 : i32
      %dma_wait3A_50 = tpu.memref_slice %arg10[%add3A_11, %dma_wait3A_49] : memref<10240x128xf32, #tpu.memory_space<vmem_shared>> -> memref<128x128xf32, #tpu.memory_space<vmem_shared>>
      tpu.wait_dma2 semaphore(%run_scoped3A : memref<!tpu.dma_semaphore, #tpu.memory_space<semaphore_mem>>) src(%arg8 : memref<128x128xf32, #tpu.memory_space<vmem>>) dst(%dma_wait3A_50 : memref<128x128xf32, #tpu.memory_space<vmem_shared>>)
      tpu.yield
    }) : () -> ()
    %add3A_12 = arith.constant 256 : i32
    %add3A_13 = arith.addi %mul3A_7, %add3A_12 : i32
    "tpu.region"() ({
      %run_scoped3A = tpu.sem_alloc : memref<!tpu.dma_semaphore, #tpu.memory_space<semaphore_mem>>
      %dma_start3A_44 = arith.constant 0 : i32
      %dma_start3A_45 = tpu.memref_slice %arg10[%add3A_13, %dma_start3A_44] : memref<10240x128xf32, #tpu.memory_space<vmem_shared>> -> memref<128x128xf32, #tpu.memory_space<vmem_shared>>
      %dma_start3A_46 = arith.constant 0 : i32
      %dma_start3A_47 = tpu.memref_slice %arg10[%add3A_13, %dma_start3A_46] : memref<10240x128xf32, #tpu.memory_space<vmem_shared>> -> memref<128x128xf32, #tpu.memory_space<vmem_shared>>
      tpu.enqueue_dma source(%arg8 : memref<128x128xf32, #tpu.memory_space<vmem>>) target(%dma_start3A_47 : memref<128x128xf32, #tpu.memory_space<vmem_shared>>) target_semaphore(%run_scoped3A : memref<!tpu.dma_semaphore, #tpu.memory_space<semaphore_mem>>)
      %dma_wait3A = arith.constant 0 : i32
      %dma_wait3A_48 = tpu.memref_slice %arg10[%add3A_13, %dma_wait3A] : memref<10240x128xf32, #tpu.memory_space<vmem_shared>> -> memref<128x128xf32, #tpu.memory_space<vmem_shared>>
      %dma_wait3A_49 = arith.constant 0 : i32
      %dma_wait3A_50 = tpu.memref_slice %arg10[%add3A_13, %dma_wait3A_49] : memref<10240x128xf32, #tpu.memory_space<vmem_shared>> -> memref<128x128xf32, #tpu.memory_space<vmem_shared>>
      tpu.wait_dma2 semaphore(%run_scoped3A : memref<!tpu.dma_semaphore, #tpu.memory_space<semaphore_mem>>) src(%arg8 : memref<128x128xf32, #tpu.memory_space<vmem>>) dst(%dma_wait3A_50 : memref<128x128xf32, #tpu.memory_space<vmem_shared>>)
      tpu.yield
    }) : () -> ()
    %add3A_14 = arith.constant 384 : i32
    %add3A_15 = arith.addi %mul3A_7, %add3A_14 : i32
    "tpu.region"() ({
      %run_scoped3A = tpu.sem_alloc : memref<!tpu.dma_semaphore, #tpu.memory_space<semaphore_mem>>
      %dma_start3A_44 = arith.constant 0 : i32
      %dma_start3A_45 = tpu.memref_slice %arg10[%add3A_15, %dma_start3A_44] : memref<10240x128xf32, #tpu.memory_space<vmem_shared>> -> memref<128x128xf32, #tpu.memory_space<vmem_shared>>
      %dma_start3A_46 = arith.constant 0 : i32
      %dma_start3A_47 = tpu.memref_slice %arg10[%add3A_15, %dma_start3A_46] : memref<10240x128xf32, #tpu.memory_space<vmem_shared>> -> memref<128x128xf32, #tpu.memory_space<vmem_shared>>
      tpu.enqueue_dma source(%arg8 : memref<128x128xf32, #tpu.memory_space<vmem>>) target(%dma_start3A_47 : memref<128x128xf32, #tpu.memory_space<vmem_shared>>) target_semaphore(%run_scoped3A : memref<!tpu.dma_semaphore, #tpu.memory_space<semaphore_mem>>)
      %dma_wait3A = arith.constant 0 : i32
      %dma_wait3A_48 = tpu.memref_slice %arg10[%add3A_15, %dma_wait3A] : memref<10240x128xf32, #tpu.memory_space<vmem_shared>> -> memref<128x128xf32, #tpu.memory_space<vmem_shared>>
      %dma_wait3A_49 = arith.constant 0 : i32
      %dma_wait3A_50 = tpu.memref_slice %arg10[%add3A_15, %dma_wait3A_49] : memref<10240x128xf32, #tpu.memory_space<vmem_shared>> -> memref<128x128xf32, #tpu.memory_space<vmem_shared>>
      tpu.wait_dma2 semaphore(%run_scoped3A : memref<!tpu.dma_semaphore, #tpu.memory_space<semaphore_mem>>) src(%arg8 : memref<128x128xf32, #tpu.memory_space<vmem>>) dst(%dma_wait3A_50 : memref<128x128xf32, #tpu.memory_space<vmem_shared>>)
      tpu.yield
    }) : () -> ()
    %add3A_16 = arith.constant 512 : i32
    %add3A_17 = arith.addi %mul3A_7, %add3A_16 : i32
    "tpu.region"() ({
      %run_scoped3A = tpu.sem_alloc : memref<!tpu.dma_semaphore, #tpu.memory_space<semaphore_mem>>
      %dma_start3A_44 = arith.constant 0 : i32
      %dma_start3A_45 = tpu.memref_slice %arg10[%add3A_17, %dma_start3A_44] : memref<10240x128xf32, #tpu.memory_space<vmem_shared>> -> memref<128x128xf32, #tpu.memory_space<vmem_shared>>
      %dma_start3A_46 = arith.constant 0 : i32
      %dma_start3A_47 = tpu.memref_slice %arg10[%add3A_17, %dma_start3A_46] : memref<10240x128xf32, #tpu.memory_space<vmem_shared>> -> memref<128x128xf32, #tpu.memory_space<vmem_shared>>
      tpu.enqueue_dma source(%arg8 : memref<128x128xf32, #tpu.memory_space<vmem>>) target(%dma_start3A_47 : memref<128x128xf32, #tpu.memory_space<vmem_shared>>) target_semaphore(%run_scoped3A : memref<!tpu.dma_semaphore, #tpu.memory_space<semaphore_mem>>)
      %dma_wait3A = arith.constant 0 : i32
      %dma_wait3A_48 = tpu.memref_slice %arg10[%add3A_17, %dma_wait3A] : memref<10240x128xf32, #tpu.memory_space<vmem_shared>> -> memref<128x128xf32, #tpu.memory_space<vmem_shared>>
      %dma_wait3A_49 = arith.constant 0 : i32
      %dma_wait3A_50 = tpu.memref_slice %arg10[%add3A_17, %dma_wait3A_49] : memref<10240x128xf32, #tpu.memory_space<vmem_shared>> -> memref<128x128xf32, #tpu.memory_space<vmem_shared>>
      tpu.wait_dma2 semaphore(%run_scoped3A : memref<!tpu.dma_semaphore, #tpu.memory_space<semaphore_mem>>) src(%arg8 : memref<128x128xf32, #tpu.memory_space<vmem>>) dst(%dma_wait3A_50 : memref<128x128xf32, #tpu.memory_space<vmem_shared>>)
      tpu.yield
    }) : () -> ()
    %barrier3A = arith.constant 0 : index
    tpu.barrier barrier_id(%barrier3A)
    "tpu.region"() ({
      %run_scoped3A = tpu.sem_alloc : memref<!tpu.dma_semaphore, #tpu.memory_space<semaphore_mem>>
      %dma_start3A_44 = arith.constant 0 : i32
      %dma_start3A_45 = arith.constant 0 : i32
      %dma_start3A_46 = tpu.memref_slice %arg6[%dma_start3A_44, %dma_start3A_45] : memref<48x128xi32, #tpu.memory_space<vmem>> -> memref<48x128xi32, #tpu.memory_space<vmem>>
      %dma_start3A_47 = arith.constant 0 : i32
      %dma_start3A_48 = arith.constant 0 : i32
      %dma_start3A_49 = tpu.memref_slice %arg3[%add3A, %dma_start3A_47, %dma_start3A_48] : memref<32x88x128xi32, #tpu.memory_space<hbm>> -> memref<1x48x128xi32, #tpu.memory_space<hbm>>
      %dma_start3A_50 = tpu.memref_squeeze %dma_start3A_49 : memref<1x48x128xi32, #tpu.memory_space<hbm>> -> memref<48x128xi32, #tpu.memory_space<hbm>>
      %dma_start3A_51 = arith.constant 0 : i32
      %dma_start3A_52 = arith.constant 0 : i32
      %dma_start3A_53 = tpu.memref_slice %arg6[%dma_start3A_51, %dma_start3A_52] : memref<48x128xi32, #tpu.memory_space<vmem>> -> memref<48x128xi32, #tpu.memory_space<vmem>>
      %dma_start3A_54 = arith.constant 0 : i32
      %dma_start3A_55 = arith.constant 0 : i32
      %dma_start3A_56 = tpu.memref_slice %arg3[%add3A, %dma_start3A_54, %dma_start3A_55] : memref<32x88x128xi32, #tpu.memory_space<hbm>> -> memref<1x48x128xi32, #tpu.memory_space<hbm>>
      %dma_start3A_57 = tpu.memref_squeeze %dma_start3A_56 : memref<1x48x128xi32, #tpu.memory_space<hbm>> -> memref<48x128xi32, #tpu.memory_space<hbm>>
      tpu.enqueue_dma source(%dma_start3A_57 : memref<48x128xi32, #tpu.memory_space<hbm>>) target(%dma_start3A_53 : memref<48x128xi32, #tpu.memory_space<vmem>>) target_semaphore(%run_scoped3A : memref<!tpu.dma_semaphore, #tpu.memory_space<semaphore_mem>>)
      %dma_wait3A = arith.constant 0 : i32
      %dma_wait3A_58 = arith.constant 0 : i32
      %dma_wait3A_59 = tpu.memref_slice %arg6[%dma_wait3A, %dma_wait3A_58] : memref<48x128xi32, #tpu.memory_space<vmem>> -> memref<48x128xi32, #tpu.memory_space<vmem>>
      %dma_wait3A_60 = arith.constant 0 : i32
      %dma_wait3A_61 = arith.constant 0 : i32
      %dma_wait3A_62 = tpu.memref_slice %arg3[%add3A, %dma_wait3A_60, %dma_wait3A_61] : memref<32x88x128xi32, #tpu.memory_space<hbm>> -> memref<1x48x128xi32, #tpu.memory_space<hbm>>
      %dma_wait3A_63 = tpu.memref_squeeze %dma_wait3A_62 : memref<1x48x128xi32, #tpu.memory_space<hbm>> -> memref<48x128xi32, #tpu.memory_space<hbm>>
      %dma_wait3A_64 = arith.constant 0 : i32
      %dma_wait3A_65 = arith.constant 0 : i32
      %dma_wait3A_66 = tpu.memref_slice %arg6[%dma_wait3A_64, %dma_wait3A_65] : memref<48x128xi32, #tpu.memory_space<vmem>> -> memref<48x128xi32, #tpu.memory_space<vmem>>
      %dma_wait3A_67 = arith.constant 0 : i32
      %dma_wait3A_68 = arith.constant 0 : i32
      %dma_wait3A_69 = tpu.memref_slice %arg3[%add3A, %dma_wait3A_67, %dma_wait3A_68] : memref<32x88x128xi32, #tpu.memory_space<hbm>> -> memref<1x48x128xi32, #tpu.memory_space<hbm>>
      %dma_wait3A_70 = tpu.memref_squeeze %dma_wait3A_69 : memref<1x48x128xi32, #tpu.memory_space<hbm>> -> memref<48x128xi32, #tpu.memory_space<hbm>>
      tpu.wait_dma2 semaphore(%run_scoped3A : memref<!tpu.dma_semaphore, #tpu.memory_space<semaphore_mem>>) src(%dma_wait3A_70 : memref<48x128xi32, #tpu.memory_space<hbm>>) dst(%dma_wait3A_66 : memref<48x128xi32, #tpu.memory_space<vmem>>)
      tpu.yield
    }) : () -> ()
    "tpu.region"() ({
      %run_scoped3A = tpu.sem_alloc : memref<!tpu.dma_semaphore, #tpu.memory_space<semaphore_mem>>
      %dma_start3A_44 = arith.constant 0 : i32
      %dma_start3A_45 = arith.constant 0 : i32
      %dma_start3A_46 = tpu.memref_slice %arg7[%dma_start3A_44, %dma_start3A_45] : memref<48x128xi32, #tpu.memory_space<vmem>> -> memref<48x128xi32, #tpu.memory_space<vmem>>
      %dma_start3A_47 = arith.constant 0 : i32
      %dma_start3A_48 = arith.constant 0 : i32
      %dma_start3A_49 = tpu.memref_slice %arg4[%add3A, %dma_start3A_47, %dma_start3A_48] : memref<32x88x128xi32, #tpu.memory_space<hbm>> -> memref<1x48x128xi32, #tpu.memory_space<hbm>>
      %dma_start3A_50 = tpu.memref_squeeze %dma_start3A_49 : memref<1x48x128xi32, #tpu.memory_space<hbm>> -> memref<48x128xi32, #tpu.memory_space<hbm>>
      %dma_start3A_51 = arith.constant 0 : i32
      %dma_start3A_52 = arith.constant 0 : i32
      %dma_start3A_53 = tpu.memref_slice %arg7[%dma_start3A_51, %dma_start3A_52] : memref<48x128xi32, #tpu.memory_space<vmem>> -> memref<48x128xi32, #tpu.memory_space<vmem>>
      %dma_start3A_54 = arith.constant 0 : i32
      %dma_start3A_55 = arith.constant 0 : i32
      %dma_start3A_56 = tpu.memref_slice %arg4[%add3A, %dma_start3A_54, %dma_start3A_55] : memref<32x88x128xi32, #tpu.memory_space<hbm>> -> memref<1x48x128xi32, #tpu.memory_space<hbm>>
      %dma_start3A_57 = tpu.memref_squeeze %dma_start3A_56 : memref<1x48x128xi32, #tpu.memory_space<hbm>> -> memref<48x128xi32, #tpu.memory_space<hbm>>
      tpu.enqueue_dma source(%dma_start3A_57 : memref<48x128xi32, #tpu.memory_space<hbm>>) target(%dma_start3A_53 : memref<48x128xi32, #tpu.memory_space<vmem>>) target_semaphore(%run_scoped3A : memref<!tpu.dma_semaphore, #tpu.memory_space<semaphore_mem>>)
      %dma_wait3A = arith.constant 0 : i32
      %dma_wait3A_58 = arith.constant 0 : i32
      %dma_wait3A_59 = tpu.memref_slice %arg7[%dma_wait3A, %dma_wait3A_58] : memref<48x128xi32, #tpu.memory_space<vmem>> -> memref<48x128xi32, #tpu.memory_space<vmem>>
      %dma_wait3A_60 = arith.constant 0 : i32
      %dma_wait3A_61 = arith.constant 0 : i32
      %dma_wait3A_62 = tpu.memref_slice %arg4[%add3A, %dma_wait3A_60, %dma_wait3A_61] : memref<32x88x128xi32, #tpu.memory_space<hbm>> -> memref<1x48x128xi32, #tpu.memory_space<hbm>>
      %dma_wait3A_63 = tpu.memref_squeeze %dma_wait3A_62 : memref<1x48x128xi32, #tpu.memory_space<hbm>> -> memref<48x128xi32, #tpu.memory_space<hbm>>
      %dma_wait3A_64 = arith.constant 0 : i32
      %dma_wait3A_65 = arith.constant 0 : i32
      %dma_wait3A_66 = tpu.memref_slice %arg7[%dma_wait3A_64, %dma_wait3A_65] : memref<48x128xi32, #tpu.memory_space<vmem>> -> memref<48x128xi32, #tpu.memory_space<vmem>>
      %dma_wait3A_67 = arith.constant 0 : i32
      %dma_wait3A_68 = arith.constant 0 : i32
      %dma_wait3A_69 = tpu.memref_slice %arg4[%add3A, %dma_wait3A_67, %dma_wait3A_68] : memref<32x88x128xi32, #tpu.memory_space<hbm>> -> memref<1x48x128xi32, #tpu.memory_space<hbm>>
      %dma_wait3A_70 = tpu.memref_squeeze %dma_wait3A_69 : memref<1x48x128xi32, #tpu.memory_space<hbm>> -> memref<48x128xi32, #tpu.memory_space<hbm>>
      tpu.wait_dma2 semaphore(%run_scoped3A : memref<!tpu.dma_semaphore, #tpu.memory_space<semaphore_mem>>) src(%dma_wait3A_70 : memref<48x128xi32, #tpu.memory_space<hbm>>) dst(%dma_wait3A_66 : memref<48x128xi32, #tpu.memory_space<vmem>>)
      tpu.yield
    }) : () -> ()
    %dma_start3A = arith.constant 0 : i32
    %dma_start3A_18 = arith.constant 0 : i32
    %dma_start3A_19 = tpu.memref_slice %arg6[%dma_start3A, %dma_start3A_18] : memref<48x128xi32, #tpu.memory_space<vmem>> -> memref<1x128xi32, #tpu.memory_space<vmem>>
    %dma_start3A_20 = tpu.memref_squeeze %dma_start3A_19 : memref<1x128xi32, #tpu.memory_space<vmem>> -> memref<128xi32, #tpu.memory_space<vmem>>
    %dma_start3A_21 = arith.constant 0 : i32
    %dma_start3A_22 = arith.constant 0 : i32
    %dma_start3A_23 = tpu.memref_slice %arg2[%dma_start3A_21, %dma_start3A_22] : memref<45056x128xf32, #tpu.memory_space<hbm>> -> memref<45056x128xf32, #tpu.memory_space<hbm>>
    tpu.enqueue_indirect_dma source(%dma_start3A_23 : memref<45056x128xf32, #tpu.memory_space<hbm>>) target(%arg8 : memref<128x128xf32, #tpu.memory_space<vmem>>) offsets(%dma_start3A_20 : memref<128xi32, #tpu.memory_space<vmem>>) semaphore(%arg11 : memref<!tpu.dma_semaphore, #tpu.memory_space<semaphore_mem>>)
    %scan3A_24 = arith.constant 0 : i32
    %scan3A_25 = arith.constant 0 : i32
    %scan3A_26 = arith.constant 24 : i32
    %scan3A_27 = arith.addi %scan3A_25, %scan3A_26 : i32
    %scan3A_28 = arith.constant 1 : i32
    scf.for %scan3A_44 = %scan3A_25 to %scan3A_27 step %scan3A_28  : i32 {
      %mul3A_45 = arith.constant 2 : i32
      %mul3A_46 = arith.muli %mul3A_45, %scan3A_44 : i32
      %add3A_47 = arith.constant 1 : i32
      %add3A_48 = arith.addi %mul3A_46, %add3A_47 : i32
      %dma_start3A_49 = arith.constant 0 : i32
      %dma_start3A_50 = tpu.memref_slice %arg6[%add3A_48, %dma_start3A_49] : memref<48x128xi32, #tpu.memory_space<vmem>> -> memref<1x128xi32, #tpu.memory_space<vmem>>
      %dma_start3A_51 = tpu.memref_squeeze %dma_start3A_50 : memref<1x128xi32, #tpu.memory_space<vmem>> -> memref<128xi32, #tpu.memory_space<vmem>>
      %dma_start3A_52 = arith.constant 0 : i32
      %dma_start3A_53 = arith.constant 0 : i32
      %dma_start3A_54 = tpu.memref_slice %arg2[%dma_start3A_52, %dma_start3A_53] : memref<45056x128xf32, #tpu.memory_space<hbm>> -> memref<45056x128xf32, #tpu.memory_space<hbm>>
      tpu.enqueue_indirect_dma source(%dma_start3A_54 : memref<45056x128xf32, #tpu.memory_space<hbm>>) target(%arg9 : memref<128x128xf32, #tpu.memory_space<vmem>>) offsets(%dma_start3A_51 : memref<128xi32, #tpu.memory_space<vmem>>) semaphore(%arg12 : memref<!tpu.dma_semaphore, #tpu.memory_space<semaphore_mem>>)
      %dma_wait3A = arith.constant 0 : i32
      %dma_wait3A_55 = tpu.memref_slice %arg6[%mul3A_46, %dma_wait3A] : memref<48x128xi32, #tpu.memory_space<vmem>> -> memref<1x128xi32, #tpu.memory_space<vmem>>
      %dma_wait3A_56 = tpu.memref_squeeze %dma_wait3A_55 : memref<1x128xi32, #tpu.memory_space<vmem>> -> memref<128xi32, #tpu.memory_space<vmem>>
      %dma_wait3A_57 = arith.constant 0 : i32
      %dma_wait3A_58 = arith.constant 0 : i32
      %dma_wait3A_59 = tpu.memref_slice %arg2[%dma_wait3A_57, %dma_wait3A_58] : memref<45056x128xf32, #tpu.memory_space<hbm>> -> memref<45056x128xf32, #tpu.memory_space<hbm>>
      tpu.wait_indirect_dma semaphore(%arg11 : memref<!tpu.dma_semaphore, #tpu.memory_space<semaphore_mem>>) src(%dma_wait3A_59 : memref<45056x128xf32, #tpu.memory_space<hbm>>) dst(%arg8 : memref<128x128xf32, #tpu.memory_space<vmem>>)
      "tpu.region"() ({
        %run_scoped3A = tpu.sem_alloc : memref<!tpu.dma_semaphore, #tpu.memory_space<semaphore_mem>>
        %dma_start3A_74 = arith.constant 0 : i32
        %dma_start3A_75 = tpu.memref_slice %arg7[%mul3A_46, %dma_start3A_74] : memref<48x128xi32, #tpu.memory_space<vmem>> -> memref<1x128xi32, #tpu.memory_space<vmem>>
        %dma_start3A_76 = tpu.memref_squeeze %dma_start3A_75 : memref<1x128xi32, #tpu.memory_space<vmem>> -> memref<128xi32, #tpu.memory_space<vmem>>
        %dma_start3A_77 = arith.constant 0 : i32
        %dma_start3A_78 = arith.constant 0 : i32
        %dma_start3A_79 = tpu.memref_slice %arg10[%dma_start3A_77, %dma_start3A_78] : memref<10240x128xf32, #tpu.memory_space<vmem_shared>> -> memref<10240x128xf32, #tpu.memory_space<vmem_shared>>
        tpu.enqueue_indirect_dma source(%arg8 : memref<128x128xf32, #tpu.memory_space<vmem>>) target(%dma_start3A_79 : memref<10240x128xf32, #tpu.memory_space<vmem_shared>>) offsets(%dma_start3A_76 : memref<128xi32, #tpu.memory_space<vmem>>) semaphore(%run_scoped3A : memref<!tpu.dma_semaphore, #tpu.memory_space<semaphore_mem>>) {add = true}
        %dma_wait3A_80 = arith.constant 0 : i32
        %dma_wait3A_81 = tpu.memref_slice %arg7[%mul3A_46, %dma_wait3A_80] : memref<48x128xi32, #tpu.memory_space<vmem>> -> memref<1x128xi32, #tpu.memory_space<vmem>>
        %dma_wait3A_82 = tpu.memref_squeeze %dma_wait3A_81 : memref<1x128xi32, #tpu.memory_space<vmem>> -> memref<128xi32, #tpu.memory_space<vmem>>
        %dma_wait3A_83 = arith.constant 0 : i32
        %dma_wait3A_84 = arith.constant 0 : i32
        %dma_wait3A_85 = tpu.memref_slice %arg10[%dma_wait3A_83, %dma_wait3A_84] : memref<10240x128xf32, #tpu.memory_space<vmem_shared>> -> memref<10240x128xf32, #tpu.memory_space<vmem_shared>>
        tpu.wait_indirect_dma semaphore(%run_scoped3A : memref<!tpu.dma_semaphore, #tpu.memory_space<semaphore_mem>>) src(%arg8 : memref<128x128xf32, #tpu.memory_space<vmem>>) dst(%dma_wait3A_85 : memref<10240x128xf32, #tpu.memory_space<vmem_shared>>)
        tpu.yield
      }) : () -> ()
      %add3A_60 = arith.constant 2 : i32
      %add3A_61 = arith.addi %mul3A_46, %add3A_60 : i32
      %lt3A = arith.constant 48 : i32
      %lt3A_62 = arith.cmpi slt, %add3A_61, %lt3A : i32
      %convert_element_type3A = arith.extui %lt3A_62 : i1 to i32
      %cond3A = arith.constant 0 : i32
      %cond3A_63 = arith.cmpi ne, %convert_element_type3A, %cond3A : i32
      scf.if %cond3A_63 {
        %add3A_74 = arith.constant 2 : i32
        %add3A_75 = arith.addi %mul3A_46, %add3A_74 : i32
        %dma_start3A_76 = arith.constant 0 : i32
        %dma_start3A_77 = tpu.memref_slice %arg6[%add3A_75, %dma_start3A_76] : memref<48x128xi32, #tpu.memory_space<vmem>> -> memref<1x128xi32, #tpu.memory_space<vmem>>
        %dma_start3A_78 = tpu.memref_squeeze %dma_start3A_77 : memref<1x128xi32, #tpu.memory_space<vmem>> -> memref<128xi32, #tpu.memory_space<vmem>>
        %dma_start3A_79 = arith.constant 0 : i32
        %dma_start3A_80 = arith.constant 0 : i32
        %dma_start3A_81 = tpu.memref_slice %arg2[%dma_start3A_79, %dma_start3A_80] : memref<45056x128xf32, #tpu.memory_space<hbm>> -> memref<45056x128xf32, #tpu.memory_space<hbm>>
        tpu.enqueue_indirect_dma source(%dma_start3A_81 : memref<45056x128xf32, #tpu.memory_space<hbm>>) target(%arg8 : memref<128x128xf32, #tpu.memory_space<vmem>>) offsets(%dma_start3A_78 : memref<128xi32, #tpu.memory_space<vmem>>) semaphore(%arg11 : memref<!tpu.dma_semaphore, #tpu.memory_space<semaphore_mem>>)
      } else {
      }
      %add3A_64 = arith.constant 1 : i32
      %add3A_65 = arith.addi %mul3A_46, %add3A_64 : i32
      %dma_wait3A_66 = arith.constant 0 : i32
      %dma_wait3A_67 = tpu.memref_slice %arg6[%add3A_65, %dma_wait3A_66] : memref<48x128xi32, #tpu.memory_space<vmem>> -> memref<1x128xi32, #tpu.memory_space<vmem>>
      %dma_wait3A_68 = tpu.memref_squeeze %dma_wait3A_67 : memref<1x128xi32, #tpu.memory_space<vmem>> -> memref<128xi32, #tpu.memory_space<vmem>>
      %dma_wait3A_69 = arith.constant 0 : i32
      %dma_wait3A_70 = arith.constant 0 : i32
      %dma_wait3A_71 = tpu.memref_slice %arg2[%dma_wait3A_69, %dma_wait3A_70] : memref<45056x128xf32, #tpu.memory_space<hbm>> -> memref<45056x128xf32, #tpu.memory_space<hbm>>
      tpu.wait_indirect_dma semaphore(%arg12 : memref<!tpu.dma_semaphore, #tpu.memory_space<semaphore_mem>>) src(%dma_wait3A_71 : memref<45056x128xf32, #tpu.memory_space<hbm>>) dst(%arg9 : memref<128x128xf32, #tpu.memory_space<vmem>>)
      %add3A_72 = arith.constant 1 : i32
      %add3A_73 = arith.addi %mul3A_46, %add3A_72 : i32
      "tpu.region"() ({
        %run_scoped3A = tpu.sem_alloc : memref<!tpu.dma_semaphore, #tpu.memory_space<semaphore_mem>>
        %dma_start3A_74 = arith.constant 0 : i32
        %dma_start3A_75 = tpu.memref_slice %arg7[%add3A_73, %dma_start3A_74] : memref<48x128xi32, #tpu.memory_space<vmem>> -> memref<1x128xi32, #tpu.memory_space<vmem>>
        %dma_start3A_76 = tpu.memref_squeeze %dma_start3A_75 : memref<1x128xi32, #tpu.memory_space<vmem>> -> memref<128xi32, #tpu.memory_space<vmem>>
        %dma_start3A_77 = arith.constant 0 : i32
        %dma_start3A_78 = arith.constant 0 : i32
        %dma_start3A_79 = tpu.memref_slice %arg10[%dma_start3A_77, %dma_start3A_78] : memref<10240x128xf32, #tpu.memory_space<vmem_shared>> -> memref<10240x128xf32, #tpu.memory_space<vmem_shared>>
        tpu.enqueue_indirect_dma source(%arg9 : memref<128x128xf32, #tpu.memory_space<vmem>>) target(%dma_start3A_79 : memref<10240x128xf32, #tpu.memory_space<vmem_shared>>) offsets(%dma_start3A_76 : memref<128xi32, #tpu.memory_space<vmem>>) semaphore(%run_scoped3A : memref<!tpu.dma_semaphore, #tpu.memory_space<semaphore_mem>>) {add = true}
        %dma_wait3A_80 = arith.constant 0 : i32
        %dma_wait3A_81 = tpu.memref_slice %arg7[%add3A_73, %dma_wait3A_80] : memref<48x128xi32, #tpu.memory_space<vmem>> -> memref<1x128xi32, #tpu.memory_space<vmem>>
        %dma_wait3A_82 = tpu.memref_squeeze %dma_wait3A_81 : memref<1x128xi32, #tpu.memory_space<vmem>> -> memref<128xi32, #tpu.memory_space<vmem>>
        %dma_wait3A_83 = arith.constant 0 : i32
        %dma_wait3A_84 = arith.constant 0 : i32
        %dma_wait3A_85 = tpu.memref_slice %arg10[%dma_wait3A_83, %dma_wait3A_84] : memref<10240x128xf32, #tpu.memory_space<vmem_shared>> -> memref<10240x128xf32, #tpu.memory_space<vmem_shared>>
        tpu.wait_indirect_dma semaphore(%run_scoped3A : memref<!tpu.dma_semaphore, #tpu.memory_space<semaphore_mem>>) src(%arg9 : memref<128x128xf32, #tpu.memory_space<vmem>>) dst(%dma_wait3A_85 : memref<10240x128xf32, #tpu.memory_space<vmem_shared>>)
        tpu.yield
      }) : () -> ()
    }
    %scan3A_29 = arith.constant 24 : i32
    "tpu.region"() ({
      %run_scoped3A = tpu.sem_alloc : memref<!tpu.dma_semaphore, #tpu.memory_space<semaphore_mem>>
      %dma_start3A_44 = arith.constant 0 : i32
      %dma_start3A_45 = arith.constant 0 : i32
      %dma_start3A_46 = tpu.memref_slice %arg6[%dma_start3A_44, %dma_start3A_45] : memref<48x128xi32, #tpu.memory_space<vmem>> -> memref<40x128xi32, #tpu.memory_space<vmem>>
      %dma_start3A_47 = arith.constant 48 : i32
      %dma_start3A_48 = arith.constant 0 : i32
      %dma_start3A_49 = tpu.memref_slice %arg3[%add3A, %dma_start3A_47, %dma_start3A_48] : memref<32x88x128xi32, #tpu.memory_space<hbm>> -> memref<1x40x128xi32, #tpu.memory_space<hbm>>
      %dma_start3A_50 = tpu.memref_squeeze %dma_start3A_49 : memref<1x40x128xi32, #tpu.memory_space<hbm>> -> memref<40x128xi32, #tpu.memory_space<hbm>>
      %dma_start3A_51 = arith.constant 0 : i32
      %dma_start3A_52 = arith.constant 0 : i32
      %dma_start3A_53 = tpu.memref_slice %arg6[%dma_start3A_51, %dma_start3A_52] : memref<48x128xi32, #tpu.memory_space<vmem>> -> memref<40x128xi32, #tpu.memory_space<vmem>>
      %dma_start3A_54 = arith.constant 48 : i32
      %dma_start3A_55 = arith.constant 0 : i32
      %dma_start3A_56 = tpu.memref_slice %arg3[%add3A, %dma_start3A_54, %dma_start3A_55] : memref<32x88x128xi32, #tpu.memory_space<hbm>> -> memref<1x40x128xi32, #tpu.memory_space<hbm>>
      %dma_start3A_57 = tpu.memref_squeeze %dma_start3A_56 : memref<1x40x128xi32, #tpu.memory_space<hbm>> -> memref<40x128xi32, #tpu.memory_space<hbm>>
      tpu.enqueue_dma source(%dma_start3A_57 : memref<40x128xi32, #tpu.memory_space<hbm>>) target(%dma_start3A_53 : memref<40x128xi32, #tpu.memory_space<vmem>>) target_semaphore(%run_scoped3A : memref<!tpu.dma_semaphore, #tpu.memory_space<semaphore_mem>>)
      %dma_wait3A = arith.constant 0 : i32
      %dma_wait3A_58 = arith.constant 0 : i32
      %dma_wait3A_59 = tpu.memref_slice %arg6[%dma_wait3A, %dma_wait3A_58] : memref<48x128xi32, #tpu.memory_space<vmem>> -> memref<40x128xi32, #tpu.memory_space<vmem>>
      %dma_wait3A_60 = arith.constant 48 : i32
      %dma_wait3A_61 = arith.constant 0 : i32
      %dma_wait3A_62 = tpu.memref_slice %arg3[%add3A, %dma_wait3A_60, %dma_wait3A_61] : memref<32x88x128xi32, #tpu.memory_space<hbm>> -> memref<1x40x128xi32, #tpu.memory_space<hbm>>
      %dma_wait3A_63 = tpu.memref_squeeze %dma_wait3A_62 : memref<1x40x128xi32, #tpu.memory_space<hbm>> -> memref<40x128xi32, #tpu.memory_space<hbm>>
      %dma_wait3A_64 = arith.constant 0 : i32
      %dma_wait3A_65 = arith.constant 0 : i32
      %dma_wait3A_66 = tpu.memref_slice %arg6[%dma_wait3A_64, %dma_wait3A_65] : memref<48x128xi32, #tpu.memory_space<vmem>> -> memref<40x128xi32, #tpu.memory_space<vmem>>
      %dma_wait3A_67 = arith.constant 48 : i32
      %dma_wait3A_68 = arith.constant 0 : i32
      %dma_wait3A_69 = tpu.memref_slice %arg3[%add3A, %dma_wait3A_67, %dma_wait3A_68] : memref<32x88x128xi32, #tpu.memory_space<hbm>> -> memref<1x40x128xi32, #tpu.memory_space<hbm>>
      %dma_wait3A_70 = tpu.memref_squeeze %dma_wait3A_69 : memref<1x40x128xi32, #tpu.memory_space<hbm>> -> memref<40x128xi32, #tpu.memory_space<hbm>>
      tpu.wait_dma2 semaphore(%run_scoped3A : memref<!tpu.dma_semaphore, #tpu.memory_space<semaphore_mem>>) src(%dma_wait3A_70 : memref<40x128xi32, #tpu.memory_space<hbm>>) dst(%dma_wait3A_66 : memref<40x128xi32, #tpu.memory_space<vmem>>)
      tpu.yield
    }) : () -> ()
    "tpu.region"() ({
      %run_scoped3A = tpu.sem_alloc : memref<!tpu.dma_semaphore, #tpu.memory_space<semaphore_mem>>
      %dma_start3A_44 = arith.constant 0 : i32
      %dma_start3A_45 = arith.constant 0 : i32
      %dma_start3A_46 = tpu.memref_slice %arg7[%dma_start3A_44, %dma_start3A_45] : memref<48x128xi32, #tpu.memory_space<vmem>> -> memref<40x128xi32, #tpu.memory_space<vmem>>
      %dma_start3A_47 = arith.constant 48 : i32
      %dma_start3A_48 = arith.constant 0 : i32
      %dma_start3A_49 = tpu.memref_slice %arg4[%add3A, %dma_start3A_47, %dma_start3A_48] : memref<32x88x128xi32, #tpu.memory_space<hbm>> -> memref<1x40x128xi32, #tpu.memory_space<hbm>>
      %dma_start3A_50 = tpu.memref_squeeze %dma_start3A_49 : memref<1x40x128xi32, #tpu.memory_space<hbm>> -> memref<40x128xi32, #tpu.memory_space<hbm>>
      %dma_start3A_51 = arith.constant 0 : i32
      %dma_start3A_52 = arith.constant 0 : i32
      %dma_start3A_53 = tpu.memref_slice %arg7[%dma_start3A_51, %dma_start3A_52] : memref<48x128xi32, #tpu.memory_space<vmem>> -> memref<40x128xi32, #tpu.memory_space<vmem>>
      %dma_start3A_54 = arith.constant 48 : i32
      %dma_start3A_55 = arith.constant 0 : i32
      %dma_start3A_56 = tpu.memref_slice %arg4[%add3A, %dma_start3A_54, %dma_start3A_55] : memref<32x88x128xi32, #tpu.memory_space<hbm>> -> memref<1x40x128xi32, #tpu.memory_space<hbm>>
      %dma_start3A_57 = tpu.memref_squeeze %dma_start3A_56 : memref<1x40x128xi32, #tpu.memory_space<hbm>> -> memref<40x128xi32, #tpu.memory_space<hbm>>
      tpu.enqueue_dma source(%dma_start3A_57 : memref<40x128xi32, #tpu.memory_space<hbm>>) target(%dma_start3A_53 : memref<40x128xi32, #tpu.memory_space<vmem>>) target_semaphore(%run_scoped3A : memref<!tpu.dma_semaphore, #tpu.memory_space<semaphore_mem>>)
      %dma_wait3A = arith.constant 0 : i32
      %dma_wait3A_58 = arith.constant 0 : i32
      %dma_wait3A_59 = tpu.memref_slice %arg7[%dma_wait3A, %dma_wait3A_58] : memref<48x128xi32, #tpu.memory_space<vmem>> -> memref<40x128xi32, #tpu.memory_space<vmem>>
      %dma_wait3A_60 = arith.constant 48 : i32
      %dma_wait3A_61 = arith.constant 0 : i32
      %dma_wait3A_62 = tpu.memref_slice %arg4[%add3A, %dma_wait3A_60, %dma_wait3A_61] : memref<32x88x128xi32, #tpu.memory_space<hbm>> -> memref<1x40x128xi32, #tpu.memory_space<hbm>>
      %dma_wait3A_63 = tpu.memref_squeeze %dma_wait3A_62 : memref<1x40x128xi32, #tpu.memory_space<hbm>> -> memref<40x128xi32, #tpu.memory_space<hbm>>
      %dma_wait3A_64 = arith.constant 0 : i32
      %dma_wait3A_65 = arith.constant 0 : i32
      %dma_wait3A_66 = tpu.memref_slice %arg7[%dma_wait3A_64, %dma_wait3A_65] : memref<48x128xi32, #tpu.memory_space<vmem>> -> memref<40x128xi32, #tpu.memory_space<vmem>>
      %dma_wait3A_67 = arith.constant 48 : i32
      %dma_wait3A_68 = arith.constant 0 : i32
      %dma_wait3A_69 = tpu.memref_slice %arg4[%add3A, %dma_wait3A_67, %dma_wait3A_68] : memref<32x88x128xi32, #tpu.memory_space<hbm>> -> memref<1x40x128xi32, #tpu.memory_space<hbm>>
      %dma_wait3A_70 = tpu.memref_squeeze %dma_wait3A_69 : memref<1x40x128xi32, #tpu.memory_space<hbm>> -> memref<40x128xi32, #tpu.memory_space<hbm>>
      tpu.wait_dma2 semaphore(%run_scoped3A : memref<!tpu.dma_semaphore, #tpu.memory_space<semaphore_mem>>) src(%dma_wait3A_70 : memref<40x128xi32, #tpu.memory_space<hbm>>) dst(%dma_wait3A_66 : memref<40x128xi32, #tpu.memory_space<vmem>>)
      tpu.yield
    }) : () -> ()
    %dma_start3A_30 = arith.constant 0 : i32
    %dma_start3A_31 = arith.constant 0 : i32
    %dma_start3A_32 = tpu.memref_slice %arg6[%dma_start3A_30, %dma_start3A_31] : memref<48x128xi32, #tpu.memory_space<vmem>> -> memref<1x128xi32, #tpu.memory_space<vmem>>
    %dma_start3A_33 = tpu.memref_squeeze %dma_start3A_32 : memref<1x128xi32, #tpu.memory_space<vmem>> -> memref<128xi32, #tpu.memory_space<vmem>>
    %dma_start3A_34 = arith.constant 0 : i32
    %dma_start3A_35 = arith.constant 0 : i32
    %dma_start3A_36 = tpu.memref_slice %arg2[%dma_start3A_34, %dma_start3A_35] : memref<45056x128xf32, #tpu.memory_space<hbm>> -> memref<45056x128xf32, #tpu.memory_space<hbm>>
    tpu.enqueue_indirect_dma source(%dma_start3A_36 : memref<45056x128xf32, #tpu.memory_space<hbm>>) target(%arg8 : memref<128x128xf32, #tpu.memory_space<vmem>>) offsets(%dma_start3A_33 : memref<128xi32, #tpu.memory_space<vmem>>) semaphore(%arg11 : memref<!tpu.dma_semaphore, #tpu.memory_space<semaphore_mem>>)
    %scan3A_37 = arith.constant 0 : i32
    %scan3A_38 = arith.constant 0 : i32
    %scan3A_39 = arith.constant 20 : i32
    %scan3A_40 = arith.addi %scan3A_38, %scan3A_39 : i32
    %scan3A_41 = arith.constant 1 : i32
    scf.for %scan3A_44 = %scan3A_38 to %scan3A_40 step %scan3A_41  : i32 {
      %mul3A_45 = arith.constant 2 : i32
      %mul3A_46 = arith.muli %mul3A_45, %scan3A_44 : i32
      %add3A_47 = arith.constant 1 : i32
      %add3A_48 = arith.addi %mul3A_46, %add3A_47 : i32
      %dma_start3A_49 = arith.constant 0 : i32
      %dma_start3A_50 = tpu.memref_slice %arg6[%add3A_48, %dma_start3A_49] : memref<48x128xi32, #tpu.memory_space<vmem>> -> memref<1x128xi32, #tpu.memory_space<vmem>>
      %dma_start3A_51 = tpu.memref_squeeze %dma_start3A_50 : memref<1x128xi32, #tpu.memory_space<vmem>> -> memref<128xi32, #tpu.memory_space<vmem>>
      %dma_start3A_52 = arith.constant 0 : i32
      %dma_start3A_53 = arith.constant 0 : i32
      %dma_start3A_54 = tpu.memref_slice %arg2[%dma_start3A_52, %dma_start3A_53] : memref<45056x128xf32, #tpu.memory_space<hbm>> -> memref<45056x128xf32, #tpu.memory_space<hbm>>
      tpu.enqueue_indirect_dma source(%dma_start3A_54 : memref<45056x128xf32, #tpu.memory_space<hbm>>) target(%arg9 : memref<128x128xf32, #tpu.memory_space<vmem>>) offsets(%dma_start3A_51 : memref<128xi32, #tpu.memory_space<vmem>>) semaphore(%arg12 : memref<!tpu.dma_semaphore, #tpu.memory_space<semaphore_mem>>)
      %dma_wait3A = arith.constant 0 : i32
      %dma_wait3A_55 = tpu.memref_slice %arg6[%mul3A_46, %dma_wait3A] : memref<48x128xi32, #tpu.memory_space<vmem>> -> memref<1x128xi32, #tpu.memory_space<vmem>>
      %dma_wait3A_56 = tpu.memref_squeeze %dma_wait3A_55 : memref<1x128xi32, #tpu.memory_space<vmem>> -> memref<128xi32, #tpu.memory_space<vmem>>
      %dma_wait3A_57 = arith.constant 0 : i32
      %dma_wait3A_58 = arith.constant 0 : i32
      %dma_wait3A_59 = tpu.memref_slice %arg2[%dma_wait3A_57, %dma_wait3A_58] : memref<45056x128xf32, #tpu.memory_space<hbm>> -> memref<45056x128xf32, #tpu.memory_space<hbm>>
      tpu.wait_indirect_dma semaphore(%arg11 : memref<!tpu.dma_semaphore, #tpu.memory_space<semaphore_mem>>) src(%dma_wait3A_59 : memref<45056x128xf32, #tpu.memory_space<hbm>>) dst(%arg8 : memref<128x128xf32, #tpu.memory_space<vmem>>)
      "tpu.region"() ({
        %run_scoped3A = tpu.sem_alloc : memref<!tpu.dma_semaphore, #tpu.memory_space<semaphore_mem>>
        %dma_start3A_74 = arith.constant 0 : i32
        %dma_start3A_75 = tpu.memref_slice %arg7[%mul3A_46, %dma_start3A_74] : memref<48x128xi32, #tpu.memory_space<vmem>> -> memref<1x128xi32, #tpu.memory_space<vmem>>
        %dma_start3A_76 = tpu.memref_squeeze %dma_start3A_75 : memref<1x128xi32, #tpu.memory_space<vmem>> -> memref<128xi32, #tpu.memory_space<vmem>>
        %dma_start3A_77 = arith.constant 0 : i32
        %dma_start3A_78 = arith.constant 0 : i32
        %dma_start3A_79 = tpu.memref_slice %arg10[%dma_start3A_77, %dma_start3A_78] : memref<10240x128xf32, #tpu.memory_space<vmem_shared>> -> memref<10240x128xf32, #tpu.memory_space<vmem_shared>>
        tpu.enqueue_indirect_dma source(%arg8 : memref<128x128xf32, #tpu.memory_space<vmem>>) target(%dma_start3A_79 : memref<10240x128xf32, #tpu.memory_space<vmem_shared>>) offsets(%dma_start3A_76 : memref<128xi32, #tpu.memory_space<vmem>>) semaphore(%run_scoped3A : memref<!tpu.dma_semaphore, #tpu.memory_space<semaphore_mem>>) {add = true}
        %dma_wait3A_80 = arith.constant 0 : i32
        %dma_wait3A_81 = tpu.memref_slice %arg7[%mul3A_46, %dma_wait3A_80] : memref<48x128xi32, #tpu.memory_space<vmem>> -> memref<1x128xi32, #tpu.memory_space<vmem>>
        %dma_wait3A_82 = tpu.memref_squeeze %dma_wait3A_81 : memref<1x128xi32, #tpu.memory_space<vmem>> -> memref<128xi32, #tpu.memory_space<vmem>>
        %dma_wait3A_83 = arith.constant 0 : i32
        %dma_wait3A_84 = arith.constant 0 : i32
        %dma_wait3A_85 = tpu.memref_slice %arg10[%dma_wait3A_83, %dma_wait3A_84] : memref<10240x128xf32, #tpu.memory_space<vmem_shared>> -> memref<10240x128xf32, #tpu.memory_space<vmem_shared>>
        tpu.wait_indirect_dma semaphore(%run_scoped3A : memref<!tpu.dma_semaphore, #tpu.memory_space<semaphore_mem>>) src(%arg8 : memref<128x128xf32, #tpu.memory_space<vmem>>) dst(%dma_wait3A_85 : memref<10240x128xf32, #tpu.memory_space<vmem_shared>>)
        tpu.yield
      }) : () -> ()
      %add3A_60 = arith.constant 2 : i32
      %add3A_61 = arith.addi %mul3A_46, %add3A_60 : i32
      %lt3A = arith.constant 40 : i32
      %lt3A_62 = arith.cmpi slt, %add3A_61, %lt3A : i32
      %convert_element_type3A = arith.extui %lt3A_62 : i1 to i32
      %cond3A = arith.constant 0 : i32
      %cond3A_63 = arith.cmpi ne, %convert_element_type3A, %cond3A : i32
      scf.if %cond3A_63 {
        %add3A_74 = arith.constant 2 : i32
        %add3A_75 = arith.addi %mul3A_46, %add3A_74 : i32
        %dma_start3A_76 = arith.constant 0 : i32
        %dma_start3A_77 = tpu.memref_slice %arg6[%add3A_75, %dma_start3A_76] : memref<48x128xi32, #tpu.memory_space<vmem>> -> memref<1x128xi32, #tpu.memory_space<vmem>>
        %dma_start3A_78 = tpu.memref_squeeze %dma_start3A_77 : memref<1x128xi32, #tpu.memory_space<vmem>> -> memref<128xi32, #tpu.memory_space<vmem>>
        %dma_start3A_79 = arith.constant 0 : i32
        %dma_start3A_80 = arith.constant 0 : i32
        %dma_start3A_81 = tpu.memref_slice %arg2[%dma_start3A_79, %dma_start3A_80] : memref<45056x128xf32, #tpu.memory_space<hbm>> -> memref<45056x128xf32, #tpu.memory_space<hbm>>
        tpu.enqueue_indirect_dma source(%dma_start3A_81 : memref<45056x128xf32, #tpu.memory_space<hbm>>) target(%arg8 : memref<128x128xf32, #tpu.memory_space<vmem>>) offsets(%dma_start3A_78 : memref<128xi32, #tpu.memory_space<vmem>>) semaphore(%arg11 : memref<!tpu.dma_semaphore, #tpu.memory_space<semaphore_mem>>)
      } else {
      }
      %add3A_64 = arith.constant 1 : i32
      %add3A_65 = arith.addi %mul3A_46, %add3A_64 : i32
      %dma_wait3A_66 = arith.constant 0 : i32
      %dma_wait3A_67 = tpu.memref_slice %arg6[%add3A_65, %dma_wait3A_66] : memref<48x128xi32, #tpu.memory_space<vmem>> -> memref<1x128xi32, #tpu.memory_space<vmem>>
      %dma_wait3A_68 = tpu.memref_squeeze %dma_wait3A_67 : memref<1x128xi32, #tpu.memory_space<vmem>> -> memref<128xi32, #tpu.memory_space<vmem>>
      %dma_wait3A_69 = arith.constant 0 : i32
      %dma_wait3A_70 = arith.constant 0 : i32
      %dma_wait3A_71 = tpu.memref_slice %arg2[%dma_wait3A_69, %dma_wait3A_70] : memref<45056x128xf32, #tpu.memory_space<hbm>> -> memref<45056x128xf32, #tpu.memory_space<hbm>>
      tpu.wait_indirect_dma semaphore(%arg12 : memref<!tpu.dma_semaphore, #tpu.memory_space<semaphore_mem>>) src(%dma_wait3A_71 : memref<45056x128xf32, #tpu.memory_space<hbm>>) dst(%arg9 : memref<128x128xf32, #tpu.memory_space<vmem>>)
      %add3A_72 = arith.constant 1 : i32
      %add3A_73 = arith.addi %mul3A_46, %add3A_72 : i32
      "tpu.region"() ({
        %run_scoped3A = tpu.sem_alloc : memref<!tpu.dma_semaphore, #tpu.memory_space<semaphore_mem>>
        %dma_start3A_74 = arith.constant 0 : i32
        %dma_start3A_75 = tpu.memref_slice %arg7[%add3A_73, %dma_start3A_74] : memref<48x128xi32, #tpu.memory_space<vmem>> -> memref<1x128xi32, #tpu.memory_space<vmem>>
        %dma_start3A_76 = tpu.memref_squeeze %dma_start3A_75 : memref<1x128xi32, #tpu.memory_space<vmem>> -> memref<128xi32, #tpu.memory_space<vmem>>
        %dma_start3A_77 = arith.constant 0 : i32
        %dma_start3A_78 = arith.constant 0 : i32
        %dma_start3A_79 = tpu.memref_slice %arg10[%dma_start3A_77, %dma_start3A_78] : memref<10240x128xf32, #tpu.memory_space<vmem_shared>> -> memref<10240x128xf32, #tpu.memory_space<vmem_shared>>
        tpu.enqueue_indirect_dma source(%arg9 : memref<128x128xf32, #tpu.memory_space<vmem>>) target(%dma_start3A_79 : memref<10240x128xf32, #tpu.memory_space<vmem_shared>>) offsets(%dma_start3A_76 : memref<128xi32, #tpu.memory_space<vmem>>) semaphore(%run_scoped3A : memref<!tpu.dma_semaphore, #tpu.memory_space<semaphore_mem>>) {add = true}
        %dma_wait3A_80 = arith.constant 0 : i32
        %dma_wait3A_81 = tpu.memref_slice %arg7[%add3A_73, %dma_wait3A_80] : memref<48x128xi32, #tpu.memory_space<vmem>> -> memref<1x128xi32, #tpu.memory_space<vmem>>
        %dma_wait3A_82 = tpu.memref_squeeze %dma_wait3A_81 : memref<1x128xi32, #tpu.memory_space<vmem>> -> memref<128xi32, #tpu.memory_space<vmem>>
        %dma_wait3A_83 = arith.constant 0 : i32
        %dma_wait3A_84 = arith.constant 0 : i32
        %dma_wait3A_85 = tpu.memref_slice %arg10[%dma_wait3A_83, %dma_wait3A_84] : memref<10240x128xf32, #tpu.memory_space<vmem_shared>> -> memref<10240x128xf32, #tpu.memory_space<vmem_shared>>
        tpu.wait_indirect_dma semaphore(%run_scoped3A : memref<!tpu.dma_semaphore, #tpu.memory_space<semaphore_mem>>) src(%arg9 : memref<128x128xf32, #tpu.memory_space<vmem>>) dst(%dma_wait3A_85 : memref<10240x128xf32, #tpu.memory_space<vmem_shared>>)
        tpu.yield
      }) : () -> ()
    }
    %scan3A_42 = arith.constant 20 : i32
    %barrier3A_43 = arith.constant 0 : index
    tpu.barrier barrier_id(%barrier3A_43)
    "tpu.region"() ({
      %run_scoped3A = tpu.sem_alloc : memref<!tpu.dma_semaphore, #tpu.memory_space<semaphore_mem>>
      %dma_start3A_44 = arith.constant 0 : i32
      %dma_start3A_45 = tpu.memref_slice %arg5[%arg0, %mul3A_7, %dma_start3A_44] : memref<2x10240x128xf32, #tpu.memory_space<hbm>> -> memref<1x640x128xf32, #tpu.memory_space<hbm>>
      %dma_start3A_46 = tpu.memref_squeeze %dma_start3A_45 : memref<1x640x128xf32, #tpu.memory_space<hbm>> -> memref<640x128xf32, #tpu.memory_space<hbm>>
      %dma_start3A_47 = arith.constant 0 : i32
      %dma_start3A_48 = tpu.memref_slice %arg10[%mul3A_7, %dma_start3A_47] : memref<10240x128xf32, #tpu.memory_space<vmem_shared>> -> memref<640x128xf32, #tpu.memory_space<vmem_shared>>
      tpu.enqueue_dma source(%dma_start3A_48 : memref<640x128xf32, #tpu.memory_space<vmem_shared>>) target(%dma_start3A_46 : memref<640x128xf32, #tpu.memory_space<hbm>>) target_semaphore(%run_scoped3A : memref<!tpu.dma_semaphore, #tpu.memory_space<semaphore_mem>>)
      %dma_wait3A = arith.constant 0 : i32
      %dma_wait3A_49 = tpu.memref_slice %arg5[%arg0, %mul3A_7, %dma_wait3A] : memref<2x10240x128xf32, #tpu.memory_space<hbm>> -> memref<1x640x128xf32, #tpu.memory_space<hbm>>
      %dma_wait3A_50 = tpu.memref_squeeze %dma_wait3A_49 : memref<1x640x128xf32, #tpu.memory_space<hbm>> -> memref<640x128xf32, #tpu.memory_space<hbm>>
      %dma_wait3A_51 = arith.constant 0 : i32
      %dma_wait3A_52 = tpu.memref_slice %arg10[%mul3A_7, %dma_wait3A_51] : memref<10240x128xf32, #tpu.memory_space<vmem_shared>> -> memref<640x128xf32, #tpu.memory_space<vmem_shared>>
      tpu.wait_dma2 semaphore(%run_scoped3A : memref<!tpu.dma_semaphore, #tpu.memory_space<semaphore_mem>>) src(%dma_wait3A_52 : memref<640x128xf32, #tpu.memory_space<vmem_shared>>) dst(%dma_wait3A_50 : memref<640x128xf32, #tpu.memory_space<hbm>>)
      tpu.yield
    }) : () -> ()
    return
  }
}

#map = affine_map<(d0, d1) -> (0, 0)>
#map1 = affine_map<(d0, d1) -> (0, 0, 0)>
module attributes {stable_mosaic.version = 14 : i64} {
  func.func @conv(%arg0: i32, %arg1: i32, %arg2: memref<45056x128xf32, #tpu.memory_space<hbm>>, %arg3: memref<32x88x128xi32, #tpu.memory_space<hbm>>, %arg4: memref<32x88x128xi32, #tpu.memory_space<hbm>>, %arg5: memref<2x10240x128xf32, #tpu.memory_space<hbm>>, %arg6: memref<48x128xi32, #tpu.memory_space<vmem>>, %arg7: memref<48x128xi32, #tpu.memory_space<vmem>>, %arg8: memref<128x128xf32, #tpu.memory_space<vmem>>, %arg9: memref<128x128xf32, #tpu.memory_space<vmem>>, %arg10: memref<10240x128xf32, #tpu.memory_space<vmem_shared>>, %arg11: memref<!tpu.dma_semaphore, #tpu.memory_space<semaphore_mem>>, %arg12: memref<!tpu.dma_semaphore, #tpu.memory_space<semaphore_mem>>) attributes {dimension_semantics = [#tpu.dimension_semantics<core_parallel>, #tpu.dimension_semantics<subcore_parallel>], iteration_bounds = array<i64: 2, 16>, scalar_prefetch = 0 : i64, scratch_operands = 7 : i64, tpu.core_type = #tpu.core_type<sc_vector_subcore>, window_params = [{transform_indices = #map}, {transform_indices = #map1}, {transform_indices = #map1}, {transform_indices = #map1}]} {
    %mul3A = arith.constant 16 : i32
    %mul3A_0 = arith.muli %arg0, %mul3A : i32
    %add3A = arith.addi %mul3A_0, %arg1 : i32
    %scan3A = arith.constant 0 : i32
    %scan3A_1 = arith.constant 0 : i32
    %scan3A_2 = arith.constant 128 : i32
    %scan3A_3 = arith.addi %scan3A_1, %scan3A_2 : i32
    %scan3A_4 = arith.constant 1 : i32
    scf.for %scan3A_44 = %scan3A_1 to %scan3A_3 step %scan3A_4  : i32 {
      %broadcast_in_dim3A = arith.constant 0.000000e+00 : f32
      %broadcast_in_dim3A_45 = vector.broadcast %broadcast_in_dim3A : f32 to vector<16xf32>
      %swap3A = arith.index_cast %scan3A_44 : i32 to index
      %swap3A_46 = arith.constant 0 : index
      %swap3A_47 = tpu.vector_load %arg8[%swap3A, %swap3A_46] {strides = array<i32>} : memref<128x128xf32, #tpu.memory_space<vmem>>, vector<1x16xf32>,
      %swap3A_48 = vector.shape_cast %swap3A_47 : vector<1x16xf32> to vector<16xf32>
      %swap3A_49 = vector.shape_cast %broadcast_in_dim3A_45 : vector<16xf32> to vector<1x16xf32>
      tpu.vector_store %arg8[%swap3A, %swap3A_46], %swap3A_49 {strides = array<i32>} : memref<128x128xf32, #tpu.memory_space<vmem>>, vector<1x16xf32>,
      %broadcast_in_dim3A_50 = arith.constant 0.000000e+00 : f32
      %broadcast_in_dim3A_51 = vector.broadcast %broadcast_in_dim3A_50 : f32 to vector<16xf32>
      %swap3A_52 = arith.index_cast %scan3A_44 : i32 to index
      %swap3A_53 = arith.constant 16 : index
      %swap3A_54 = tpu.vector_load %arg8[%swap3A_52, %swap3A_53] {strides = array<i32>} : memref<128x128xf32, #tpu.memory_space<vmem>>, vector<1x16xf32>,
      %swap3A_55 = vector.shape_cast %swap3A_54 : vector<1x16xf32> to vector<16xf32>
      %swap3A_56 = vector.shape_cast %broadcast_in_dim3A_51 : vector<16xf32> to vector<1x16xf32>
      tpu.vector_store %arg8[%swap3A_52, %swap3A_53], %swap3A_56 {strides = array<i32>} : memref<128x128xf32, #tpu.memory_space<vmem>>, vector<1x16xf32>,
      %broadcast_in_dim3A_57 = arith.constant 0.000000e+00 : f32
      %broadcast_in_dim3A_58 = vector.broadcast %broadcast_in_dim3A_57 : f32 to vector<16xf32>
      %swap3A_59 = arith.index_cast %scan3A_44 : i32 to index
      %swap3A_60 = arith.constant 32 : index
      %swap3A_61 = tpu.vector_load %arg8[%swap3A_59, %swap3A_60] {strides = array<i32>} : memref<128x128xf32, #tpu.memory_space<vmem>>, vector<1x16xf32>,
      %swap3A_62 = vector.shape_cast %swap3A_61 : vector<1x16xf32> to vector<16xf32>
      %swap3A_63 = vector.shape_cast %broadcast_in_dim3A_58 : vector<16xf32> to vector<1x16xf32>
      tpu.vector_store %arg8[%swap3A_59, %swap3A_60], %swap3A_63 {strides = array<i32>} : memref<128x128xf32, #tpu.memory_space<vmem>>, vector<1x16xf32>,
      %broadcast_in_dim3A_64 = arith.constant 0.000000e+00 : f32
      %broadcast_in_dim3A_65 = vector.broadcast %broadcast_in_dim3A_64 : f32 to vector<16xf32>
      %swap3A_66 = arith.index_cast %scan3A_44 : i32 to index
      %swap3A_67 = arith.constant 48 : index
      %swap3A_68 = tpu.vector_load %arg8[%swap3A_66, %swap3A_67] {strides = array<i32>} : memref<128x128xf32, #tpu.memory_space<vmem>>, vector<1x16xf32>,
      %swap3A_69 = vector.shape_cast %swap3A_68 : vector<1x16xf32> to vector<16xf32>
      %swap3A_70 = vector.shape_cast %broadcast_in_dim3A_65 : vector<16xf32> to vector<1x16xf32>
      tpu.vector_store %arg8[%swap3A_66, %swap3A_67], %swap3A_70 {strides = array<i32>} : memref<128x128xf32, #tpu.memory_space<vmem>>, vector<1x16xf32>,
      %broadcast_in_dim3A_71 = arith.constant 0.000000e+00 : f32
      %broadcast_in_dim3A_72 = vector.broadcast %broadcast_in_dim3A_71 : f32 to vector<16xf32>
      %swap3A_73 = arith.index_cast %scan3A_44 : i32 to index
      %swap3A_74 = arith.constant 64 : index
      %swap3A_75 = tpu.vector_load %arg8[%swap3A_73, %swap3A_74] {strides = array<i32>} : memref<128x128xf32, #tpu.memory_space<vmem>>, vector<1x16xf32>,
      %swap3A_76 = vector.shape_cast %swap3A_75 : vector<1x16xf32> to vector<16xf32>
      %swap3A_77 = vector.shape_cast %broadcast_in_dim3A_72 : vector<16xf32> to vector<1x16xf32>
      tpu.vector_store %arg8[%swap3A_73, %swap3A_74], %swap3A_77 {strides = array<i32>} : memref<128x128xf32, #tpu.memory_space<vmem>>, vector<1x16xf32>,
      %broadcast_in_dim3A_78 = arith.constant 0.000000e+00 : f32
      %broadcast_in_dim3A_79 = vector.broadcast %broadcast_in_dim3A_78 : f32 to vector<16xf32>
      %swap3A_80 = arith.index_cast %scan3A_44 : i32 to index
      %swap3A_81 = arith.constant 80 : index
      %swap3A_82 = tpu.vector_load %arg8[%swap3A_80, %swap3A_81] {strides = array<i32>} : memref<128x128xf32, #tpu.memory_space<vmem>>, vector<1x16xf32>,
      %swap3A_83 = vector.shape_cast %swap3A_82 : vector<1x16xf32> to vector<16xf32>
      %swap3A_84 = vector.shape_cast %broadcast_in_dim3A_79 : vector<16xf32> to vector<1x16xf32>
      tpu.vector_store %arg8[%swap3A_80, %swap3A_81], %swap3A_84 {strides = array<i32>} : memref<128x128xf32, #tpu.memory_space<vmem>>, vector<1x16xf32>,
      %broadcast_in_dim3A_85 = arith.constant 0.000000e+00 : f32
      %broadcast_in_dim3A_86 = vector.broadcast %broadcast_in_dim3A_85 : f32 to vector<16xf32>
      %swap3A_87 = arith.index_cast %scan3A_44 : i32 to index
      %swap3A_88 = arith.constant 96 : index
      %swap3A_89 = tpu.vector_load %arg8[%swap3A_87, %swap3A_88] {strides = array<i32>} : memref<128x128xf32, #tpu.memory_space<vmem>>, vector<1x16xf32>,
      %swap3A_90 = vector.shape_cast %swap3A_89 : vector<1x16xf32> to vector<16xf32>
      %swap3A_91 = vector.shape_cast %broadcast_in_dim3A_86 : vector<16xf32> to vector<1x16xf32>
      tpu.vector_store %arg8[%swap3A_87, %swap3A_88], %swap3A_91 {strides = array<i32>} : memref<128x128xf32, #tpu.memory_space<vmem>>, vector<1x16xf32>,
      %broadcast_in_dim3A_92 = arith.constant 0.000000e+00 : f32
      %broadcast_in_dim3A_93 = vector.broadcast %broadcast_in_dim3A_92 : f32 to vector<16xf32>
      %swap3A_94 = arith.index_cast %scan3A_44 : i32 to index
      %swap3A_95 = arith.constant 112 : index
      %swap3A_96 = tpu.vector_load %arg8[%swap3A_94, %swap3A_95] {strides = array<i32>} : memref<128x128xf32, #tpu.memory_space<vmem>>, vector<1x16xf32>,
      %swap3A_97 = vector.shape_cast %swap3A_96 : vector<1x16xf32> to vector<16xf32>
      %swap3A_98 = vector.shape_cast %broadcast_in_dim3A_93 : vector<16xf32> to vector<1x16xf32>
      tpu.vector_store %arg8[%swap3A_94, %swap3A_95], %swap3A_98 {strides = array<i32>} : memref<128x128xf32, #tpu.memory_space<vmem>>, vector<1x16xf32>,
    }
    %scan3A_5 = arith.constant 128 : i32
    %mul3A_6 = arith.constant 640 : i32
    %mul3A_7 = arith.muli %arg1, %mul3A_6 : i32
    %add3A_8 = arith.constant 0 : i32
    %add3A_9 = arith.addi %mul3A_7, %add3A_8 : i32
    "tpu.region"() ({
      %run_scoped3A = tpu.sem_alloc : memref<!tpu.dma_semaphore, #tpu.memory_space<semaphore_mem>>
      %dma_start3A_44 = arith.constant 0 : i32
      %dma_start3A_45 = tpu.memref_slice %arg10[%add3A_9, %dma_start3A_44] : memref<10240x128xf32, #tpu.memory_space<vmem_shared>> -> memref<128x128xf32, #tpu.memory_space<vmem_shared>>
      %dma_start3A_46 = arith.constant 0 : i32
      %dma_start3A_47 = tpu.memref_slice %arg10[%add3A_9, %dma_start3A_46] : memref<10240x128xf32, #tpu.memory_space<vmem_shared>> -> memref<128x128xf32, #tpu.memory_space<vmem_shared>>
      tpu.enqueue_dma source(%arg8 : memref<128x128xf32, #tpu.memory_space<vmem>>) target(%dma_start3A_47 : memref<128x128xf32, #tpu.memory_space<vmem_shared>>) target_semaphore(%run_scoped3A : memref<!tpu.dma_semaphore, #tpu.memory_space<semaphore_mem>>)
      %dma_wait3A = arith.constant 0 : i32
      %dma_wait3A_48 = tpu.memref_slice %arg10[%add3A_9, %dma_wait3A] : memref<10240x128xf32, #tpu.memory_space<vmem_shared>> -> memref<128x128xf32, #tpu.memory_space<vmem_shared>>
      %dma_wait3A_49 = arith.constant 0 : i32
      %dma_wait3A_50 = tpu.memref_slice %arg10[%add3A_9, %dma_wait3A_49] : memref<10240x128xf32, #tpu.memory_space<vmem_shared>> -> memref<128x128xf32, #tpu.memory_space<vmem_shared>>
      tpu.wait_dma2 semaphore(%run_scoped3A : memref<!tpu.dma_semaphore, #tpu.memory_space<semaphore_mem>>) src(%arg8 : memref<128x128xf32, #tpu.memory_space<vmem>>) dst(%dma_wait3A_50 : memref<128x128xf32, #tpu.memory_space<vmem_shared>>)
      tpu.yield
    }) : () -> ()
    %add3A_10 = arith.constant 128 : i32
    %add3A_11 = arith.addi %mul3A_7, %add3A_10 : i32
    "tpu.region"() ({
      %run_scoped3A = tpu.sem_alloc : memref<!tpu.dma_semaphore, #tpu.memory_space<semaphore_mem>>
      %dma_start3A_44 = arith.constant 0 : i32
      %dma_start3A_45 = tpu.memref_slice %arg10[%add3A_11, %dma_start3A_44] : memref<10240x128xf32, #tpu.memory_space<vmem_shared>> -> memref<128x128xf32, #tpu.memory_space<vmem_shared>>
      %dma_start3A_46 = arith.constant 0 : i32
      %dma_start3A_47 = tpu.memref_slice %arg10[%add3A_11, %dma_start3A_46] : memref<10240x128xf32, #tpu.memory_space<vmem_shared>> -> memref<128x128xf32, #tpu.memory_space<vmem_shared>>
      tpu.enqueue_dma source(%arg8 : memref<128x128xf32, #tpu.memory_space<vmem>>) target(%dma_start3A_47 : memref<128x128xf32, #tpu.memory_space<vmem_shared>>) target_semaphore(%run_scoped3A : memref<!tpu.dma_semaphore, #tpu.memory_space<semaphore_mem>>)
      %dma_wait3A = arith.constant 0 : i32
      %dma_wait3A_48 = tpu.memref_slice %arg10[%add3A_11, %dma_wait3A] : memref<10240x128xf32, #tpu.memory_space<vmem_shared>> -> memref<128x128xf32, #tpu.memory_space<vmem_shared>>
      %dma_wait3A_49 = arith.constant 0 : i32
      %dma_wait3A_50 = tpu.memref_slice %arg10[%add3A_11, %dma_wait3A_49] : memref<10240x128xf32, #tpu.memory_space<vmem_shared>> -> memref<128x128xf32, #tpu.memory_space<vmem_shared>>
      tpu.wait_dma2 semaphore(%run_scoped3A : memref<!tpu.dma_semaphore, #tpu.memory_space<semaphore_mem>>) src(%arg8 : memref<128x128xf32, #tpu.memory_space<vmem>>) dst(%dma_wait3A_50 : memref<128x128xf32, #tpu.memory_space<vmem_shared>>)
      tpu.yield
    }) : () -> ()
    %add3A_12 = arith.constant 256 : i32
    %add3A_13 = arith.addi %mul3A_7, %add3A_12 : i32
    "tpu.region"() ({
      %run_scoped3A = tpu.sem_alloc : memref<!tpu.dma_semaphore, #tpu.memory_space<semaphore_mem>>
      %dma_start3A_44 = arith.constant 0 : i32
      %dma_start3A_45 = tpu.memref_slice %arg10[%add3A_13, %dma_start3A_44] : memref<10240x128xf32, #tpu.memory_space<vmem_shared>> -> memref<128x128xf32, #tpu.memory_space<vmem_shared>>
      %dma_start3A_46 = arith.constant 0 : i32
      %dma_start3A_47 = tpu.memref_slice %arg10[%add3A_13, %dma_start3A_46] : memref<10240x128xf32, #tpu.memory_space<vmem_shared>> -> memref<128x128xf32, #tpu.memory_space<vmem_shared>>
      tpu.enqueue_dma source(%arg8 : memref<128x128xf32, #tpu.memory_space<vmem>>) target(%dma_start3A_47 : memref<128x128xf32, #tpu.memory_space<vmem_shared>>) target_semaphore(%run_scoped3A : memref<!tpu.dma_semaphore, #tpu.memory_space<semaphore_mem>>)
      %dma_wait3A = arith.constant 0 : i32
      %dma_wait3A_48 = tpu.memref_slice %arg10[%add3A_13, %dma_wait3A] : memref<10240x128xf32, #tpu.memory_space<vmem_shared>> -> memref<128x128xf32, #tpu.memory_space<vmem_shared>>
      %dma_wait3A_49 = arith.constant 0 : i32
      %dma_wait3A_50 = tpu.memref_slice %arg10[%add3A_13, %dma_wait3A_49] : memref<10240x128xf32, #tpu.memory_space<vmem_shared>> -> memref<128x128xf32, #tpu.memory_space<vmem_shared>>
      tpu.wait_dma2 semaphore(%run_scoped3A : memref<!tpu.dma_semaphore, #tpu.memory_space<semaphore_mem>>) src(%arg8 : memref<128x128xf32, #tpu.memory_space<vmem>>) dst(%dma_wait3A_50 : memref<128x128xf32, #tpu.memory_space<vmem_shared>>)
      tpu.yield
    }) : () -> ()
    %add3A_14 = arith.constant 384 : i32
    %add3A_15 = arith.addi %mul3A_7, %add3A_14 : i32
    "tpu.region"() ({
      %run_scoped3A = tpu.sem_alloc : memref<!tpu.dma_semaphore, #tpu.memory_space<semaphore_mem>>
      %dma_start3A_44 = arith.constant 0 : i32
      %dma_start3A_45 = tpu.memref_slice %arg10[%add3A_15, %dma_start3A_44] : memref<10240x128xf32, #tpu.memory_space<vmem_shared>> -> memref<128x128xf32, #tpu.memory_space<vmem_shared>>
      %dma_start3A_46 = arith.constant 0 : i32
      %dma_start3A_47 = tpu.memref_slice %arg10[%add3A_15, %dma_start3A_46] : memref<10240x128xf32, #tpu.memory_space<vmem_shared>> -> memref<128x128xf32, #tpu.memory_space<vmem_shared>>
      tpu.enqueue_dma source(%arg8 : memref<128x128xf32, #tpu.memory_space<vmem>>) target(%dma_start3A_47 : memref<128x128xf32, #tpu.memory_space<vmem_shared>>) target_semaphore(%run_scoped3A : memref<!tpu.dma_semaphore, #tpu.memory_space<semaphore_mem>>)
      %dma_wait3A = arith.constant 0 : i32
      %dma_wait3A_48 = tpu.memref_slice %arg10[%add3A_15, %dma_wait3A] : memref<10240x128xf32, #tpu.memory_space<vmem_shared>> -> memref<128x128xf32, #tpu.memory_space<vmem_shared>>
      %dma_wait3A_49 = arith.constant 0 : i32
      %dma_wait3A_50 = tpu.memref_slice %arg10[%add3A_15, %dma_wait3A_49] : memref<10240x128xf32, #tpu.memory_space<vmem_shared>> -> memref<128x128xf32, #tpu.memory_space<vmem_shared>>
      tpu.wait_dma2 semaphore(%run_scoped3A : memref<!tpu.dma_semaphore, #tpu.memory_space<semaphore_mem>>) src(%arg8 : memref<128x128xf32, #tpu.memory_space<vmem>>) dst(%dma_wait3A_50 : memref<128x128xf32, #tpu.memory_space<vmem_shared>>)
      tpu.yield
    }) : () -> ()
    %add3A_16 = arith.constant 512 : i32
    %add3A_17 = arith.addi %mul3A_7, %add3A_16 : i32
    "tpu.region"() ({
      %run_scoped3A = tpu.sem_alloc : memref<!tpu.dma_semaphore, #tpu.memory_space<semaphore_mem>>
      %dma_start3A_44 = arith.constant 0 : i32
      %dma_start3A_45 = tpu.memref_slice %arg10[%add3A_17, %dma_start3A_44] : memref<10240x128xf32, #tpu.memory_space<vmem_shared>> -> memref<128x128xf32, #tpu.memory_space<vmem_shared>>
      %dma_start3A_46 = arith.constant 0 : i32
      %dma_start3A_47 = tpu.memref_slice %arg10[%add3A_17, %dma_start3A_46] : memref<10240x128xf32, #tpu.memory_space<vmem_shared>> -> memref<128x128xf32, #tpu.memory_space<vmem_shared>>
      tpu.enqueue_dma source(%arg8 : memref<128x128xf32, #tpu.memory_space<vmem>>) target(%dma_start3A_47 : memref<128x128xf32, #tpu.memory_space<vmem_shared>>) target_semaphore(%run_scoped3A : memref<!tpu.dma_semaphore, #tpu.memory_space<semaphore_mem>>)
      %dma_wait3A = arith.constant 0 : i32
      %dma_wait3A_48 = tpu.memref_slice %arg10[%add3A_17, %dma_wait3A] : memref<10240x128xf32, #tpu.memory_space<vmem_shared>> -> memref<128x128xf32, #tpu.memory_space<vmem_shared>>
      %dma_wait3A_49 = arith.constant 0 : i32
      %dma_wait3A_50 = tpu.memref_slice %arg10[%add3A_17, %dma_wait3A_49] : memref<10240x128xf32, #tpu.memory_space<vmem_shared>> -> memref<128x128xf32, #tpu.memory_space<vmem_shared>>
      tpu.wait_dma2 semaphore(%run_scoped3A : memref<!tpu.dma_semaphore, #tpu.memory_space<semaphore_mem>>) src(%arg8 : memref<128x128xf32, #tpu.memory_space<vmem>>) dst(%dma_wait3A_50 : memref<128x128xf32, #tpu.memory_space<vmem_shared>>)
      tpu.yield
    }) : () -> ()
    %barrier3A = arith.constant 0 : index
    tpu.barrier barrier_id(%barrier3A)
    "tpu.region"() ({
      %run_scoped3A = tpu.sem_alloc : memref<!tpu.dma_semaphore, #tpu.memory_space<semaphore_mem>>
      %dma_start3A_44 = arith.constant 0 : i32
      %dma_start3A_45 = arith.constant 0 : i32
      %dma_start3A_46 = tpu.memref_slice %arg6[%dma_start3A_44, %dma_start3A_45] : memref<48x128xi32, #tpu.memory_space<vmem>> -> memref<48x128xi32, #tpu.memory_space<vmem>>
      %dma_start3A_47 = arith.constant 0 : i32
      %dma_start3A_48 = arith.constant 0 : i32
      %dma_start3A_49 = tpu.memref_slice %arg3[%add3A, %dma_start3A_47, %dma_start3A_48] : memref<32x88x128xi32, #tpu.memory_space<hbm>> -> memref<1x48x128xi32, #tpu.memory_space<hbm>>
      %dma_start3A_50 = tpu.memref_squeeze %dma_start3A_49 : memref<1x48x128xi32, #tpu.memory_space<hbm>> -> memref<48x128xi32, #tpu.memory_space<hbm>>
      %dma_start3A_51 = arith.constant 0 : i32
      %dma_start3A_52 = arith.constant 0 : i32
      %dma_start3A_53 = tpu.memref_slice %arg6[%dma_start3A_51, %dma_start3A_52] : memref<48x128xi32, #tpu.memory_space<vmem>> -> memref<48x128xi32, #tpu.memory_space<vmem>>
      %dma_start3A_54 = arith.constant 0 : i32
      %dma_start3A_55 = arith.constant 0 : i32
      %dma_start3A_56 = tpu.memref_slice %arg3[%add3A, %dma_start3A_54, %dma_start3A_55] : memref<32x88x128xi32, #tpu.memory_space<hbm>> -> memref<1x48x128xi32, #tpu.memory_space<hbm>>
      %dma_start3A_57 = tpu.memref_squeeze %dma_start3A_56 : memref<1x48x128xi32, #tpu.memory_space<hbm>> -> memref<48x128xi32, #tpu.memory_space<hbm>>
      tpu.enqueue_dma source(%dma_start3A_57 : memref<48x128xi32, #tpu.memory_space<hbm>>) target(%dma_start3A_53 : memref<48x128xi32, #tpu.memory_space<vmem>>) target_semaphore(%run_scoped3A : memref<!tpu.dma_semaphore, #tpu.memory_space<semaphore_mem>>)
      %dma_wait3A = arith.constant 0 : i32
      %dma_wait3A_58 = arith.constant 0 : i32
      %dma_wait3A_59 = tpu.memref_slice %arg6[%dma_wait3A, %dma_wait3A_58] : memref<48x128xi32, #tpu.memory_space<vmem>> -> memref<48x128xi32, #tpu.memory_space<vmem>>
      %dma_wait3A_60 = arith.constant 0 : i32
      %dma_wait3A_61 = arith.constant 0 : i32
      %dma_wait3A_62 = tpu.memref_slice %arg3[%add3A, %dma_wait3A_60, %dma_wait3A_61] : memref<32x88x128xi32, #tpu.memory_space<hbm>> -> memref<1x48x128xi32, #tpu.memory_space<hbm>>
      %dma_wait3A_63 = tpu.memref_squeeze %dma_wait3A_62 : memref<1x48x128xi32, #tpu.memory_space<hbm>> -> memref<48x128xi32, #tpu.memory_space<hbm>>
      %dma_wait3A_64 = arith.constant 0 : i32
      %dma_wait3A_65 = arith.constant 0 : i32
      %dma_wait3A_66 = tpu.memref_slice %arg6[%dma_wait3A_64, %dma_wait3A_65] : memref<48x128xi32, #tpu.memory_space<vmem>> -> memref<48x128xi32, #tpu.memory_space<vmem>>
      %dma_wait3A_67 = arith.constant 0 : i32
      %dma_wait3A_68 = arith.constant 0 : i32
      %dma_wait3A_69 = tpu.memref_slice %arg3[%add3A, %dma_wait3A_67, %dma_wait3A_68] : memref<32x88x128xi32, #tpu.memory_space<hbm>> -> memref<1x48x128xi32, #tpu.memory_space<hbm>>
      %dma_wait3A_70 = tpu.memref_squeeze %dma_wait3A_69 : memref<1x48x128xi32, #tpu.memory_space<hbm>> -> memref<48x128xi32, #tpu.memory_space<hbm>>
      tpu.wait_dma2 semaphore(%run_scoped3A : memref<!tpu.dma_semaphore, #tpu.memory_space<semaphore_mem>>) src(%dma_wait3A_70 : memref<48x128xi32, #tpu.memory_space<hbm>>) dst(%dma_wait3A_66 : memref<48x128xi32, #tpu.memory_space<vmem>>)
      tpu.yield
    }) : () -> ()
    "tpu.region"() ({
      %run_scoped3A = tpu.sem_alloc : memref<!tpu.dma_semaphore, #tpu.memory_space<semaphore_mem>>
      %dma_start3A_44 = arith.constant 0 : i32
      %dma_start3A_45 = arith.constant 0 : i32
      %dma_start3A_46 = tpu.memref_slice %arg7[%dma_start3A_44, %dma_start3A_45] : memref<48x128xi32, #tpu.memory_space<vmem>> -> memref<48x128xi32, #tpu.memory_space<vmem>>
      %dma_start3A_47 = arith.constant 0 : i32
      %dma_start3A_48 = arith.constant 0 : i32
      %dma_start3A_49 = tpu.memref_slice %arg4[%add3A, %dma_start3A_47, %dma_start3A_48] : memref<32x88x128xi32, #tpu.memory_space<hbm>> -> memref<1x48x128xi32, #tpu.memory_space<hbm>>
      %dma_start3A_50 = tpu.memref_squeeze %dma_start3A_49 : memref<1x48x128xi32, #tpu.memory_space<hbm>> -> memref<48x128xi32, #tpu.memory_space<hbm>>
      %dma_start3A_51 = arith.constant 0 : i32
      %dma_start3A_52 = arith.constant 0 : i32
      %dma_start3A_53 = tpu.memref_slice %arg7[%dma_start3A_51, %dma_start3A_52] : memref<48x128xi32, #tpu.memory_space<vmem>> -> memref<48x128xi32, #tpu.memory_space<vmem>>
      %dma_start3A_54 = arith.constant 0 : i32
      %dma_start3A_55 = arith.constant 0 : i32
      %dma_start3A_56 = tpu.memref_slice %arg4[%add3A, %dma_start3A_54, %dma_start3A_55] : memref<32x88x128xi32, #tpu.memory_space<hbm>> -> memref<1x48x128xi32, #tpu.memory_space<hbm>>
      %dma_start3A_57 = tpu.memref_squeeze %dma_start3A_56 : memref<1x48x128xi32, #tpu.memory_space<hbm>> -> memref<48x128xi32, #tpu.memory_space<hbm>>
      tpu.enqueue_dma source(%dma_start3A_57 : memref<48x128xi32, #tpu.memory_space<hbm>>) target(%dma_start3A_53 : memref<48x128xi32, #tpu.memory_space<vmem>>) target_semaphore(%run_scoped3A : memref<!tpu.dma_semaphore, #tpu.memory_space<semaphore_mem>>)
      %dma_wait3A = arith.constant 0 : i32
      %dma_wait3A_58 = arith.constant 0 : i32
      %dma_wait3A_59 = tpu.memref_slice %arg7[%dma_wait3A, %dma_wait3A_58] : memref<48x128xi32, #tpu.memory_space<vmem>> -> memref<48x128xi32, #tpu.memory_space<vmem>>
      %dma_wait3A_60 = arith.constant 0 : i32
      %dma_wait3A_61 = arith.constant 0 : i32
      %dma_wait3A_62 = tpu.memref_slice %arg4[%add3A, %dma_wait3A_60, %dma_wait3A_61] : memref<32x88x128xi32, #tpu.memory_space<hbm>> -> memref<1x48x128xi32, #tpu.memory_space<hbm>>
      %dma_wait3A_63 = tpu.memref_squeeze %dma_wait3A_62 : memref<1x48x128xi32, #tpu.memory_space<hbm>> -> memref<48x128xi32, #tpu.memory_space<hbm>>
      %dma_wait3A_64 = arith.constant 0 : i32
      %dma_wait3A_65 = arith.constant 0 : i32
      %dma_wait3A_66 = tpu.memref_slice %arg7[%dma_wait3A_64, %dma_wait3A_65] : memref<48x128xi32, #tpu.memory_space<vmem>> -> memref<48x128xi32, #tpu.memory_space<vmem>>
      %dma_wait3A_67 = arith.constant 0 : i32
      %dma_wait3A_68 = arith.constant 0 : i32
      %dma_wait3A_69 = tpu.memref_slice %arg4[%add3A, %dma_wait3A_67, %dma_wait3A_68] : memref<32x88x128xi32, #tpu.memory_space<hbm>> -> memref<1x48x128xi32, #tpu.memory_space<hbm>>
      %dma_wait3A_70 = tpu.memref_squeeze %dma_wait3A_69 : memref<1x48x128xi32, #tpu.memory_space<hbm>> -> memref<48x128xi32, #tpu.memory_space<hbm>>
      tpu.wait_dma2 semaphore(%run_scoped3A : memref<!tpu.dma_semaphore, #tpu.memory_space<semaphore_mem>>) src(%dma_wait3A_70 : memref<48x128xi32, #tpu.memory_space<hbm>>) dst(%dma_wait3A_66 : memref<48x128xi32, #tpu.memory_space<vmem>>)
      tpu.yield
    }) : () -> ()
    %dma_start3A = arith.constant 0 : i32
    %dma_start3A_18 = arith.constant 0 : i32
    %dma_start3A_19 = tpu.memref_slice %arg6[%dma_start3A, %dma_start3A_18] : memref<48x128xi32, #tpu.memory_space<vmem>> -> memref<1x128xi32, #tpu.memory_space<vmem>>
    %dma_start3A_20 = tpu.memref_squeeze %dma_start3A_19 : memref<1x128xi32, #tpu.memory_space<vmem>> -> memref<128xi32, #tpu.memory_space<vmem>>
    %dma_start3A_21 = arith.constant 0 : i32
    %dma_start3A_22 = arith.constant 0 : i32
    %dma_start3A_23 = tpu.memref_slice %arg2[%dma_start3A_21, %dma_start3A_22] : memref<45056x128xf32, #tpu.memory_space<hbm>> -> memref<45056x128xf32, #tpu.memory_space<hbm>>
    tpu.enqueue_indirect_dma source(%dma_start3A_23 : memref<45056x128xf32, #tpu.memory_space<hbm>>) target(%arg8 : memref<128x128xf32, #tpu.memory_space<vmem>>) offsets(%dma_start3A_20 : memref<128xi32, #tpu.memory_space<vmem>>) semaphore(%arg11 : memref<!tpu.dma_semaphore, #tpu.memory_space<semaphore_mem>>)
    %scan3A_24 = arith.constant 0 : i32
    %scan3A_25 = arith.constant 0 : i32
    %scan3A_26 = arith.constant 24 : i32
    %scan3A_27 = arith.addi %scan3A_25, %scan3A_26 : i32
    %scan3A_28 = arith.constant 1 : i32
    scf.for %scan3A_44 = %scan3A_25 to %scan3A_27 step %scan3A_28  : i32 {
      %mul3A_45 = arith.constant 2 : i32
      %mul3A_46 = arith.muli %mul3A_45, %scan3A_44 : i32
      %add3A_47 = arith.constant 1 : i32
      %add3A_48 = arith.addi %mul3A_46, %add3A_47 : i32
      %dma_start3A_49 = arith.constant 0 : i32
      %dma_start3A_50 = tpu.memref_slice %arg6[%add3A_48, %dma_start3A_49] : memref<48x128xi32, #tpu.memory_space<vmem>> -> memref<1x128xi32, #tpu.memory_space<vmem>>
      %dma_start3A_51 = tpu.memref_squeeze %dma_start3A_50 : memref<1x128xi32, #tpu.memory_space<vmem>> -> memref<128xi32, #tpu.memory_space<vmem>>
      %dma_start3A_52 = arith.constant 0 : i32
      %dma_start3A_53 = arith.constant 0 : i32
      %dma_start3A_54 = tpu.memref_slice %arg2[%dma_start3A_52, %dma_start3A_53] : memref<45056x128xf32, #tpu.memory_space<hbm>> -> memref<45056x128xf32, #tpu.memory_space<hbm>>
      tpu.enqueue_indirect_dma source(%dma_start3A_54 : memref<45056x128xf32, #tpu.memory_space<hbm>>) target(%arg9 : memref<128x128xf32, #tpu.memory_space<vmem>>) offsets(%dma_start3A_51 : memref<128xi32, #tpu.memory_space<vmem>>) semaphore(%arg12 : memref<!tpu.dma_semaphore, #tpu.memory_space<semaphore_mem>>)
      %dma_wait3A = arith.constant 0 : i32
      %dma_wait3A_55 = tpu.memref_slice %arg6[%mul3A_46, %dma_wait3A] : memref<48x128xi32, #tpu.memory_space<vmem>> -> memref<1x128xi32, #tpu.memory_space<vmem>>
      %dma_wait3A_56 = tpu.memref_squeeze %dma_wait3A_55 : memref<1x128xi32, #tpu.memory_space<vmem>> -> memref<128xi32, #tpu.memory_space<vmem>>
      %dma_wait3A_57 = arith.constant 0 : i32
      %dma_wait3A_58 = arith.constant 0 : i32
      %dma_wait3A_59 = tpu.memref_slice %arg2[%dma_wait3A_57, %dma_wait3A_58] : memref<45056x128xf32, #tpu.memory_space<hbm>> -> memref<45056x128xf32, #tpu.memory_space<hbm>>
      tpu.wait_indirect_dma semaphore(%arg11 : memref<!tpu.dma_semaphore, #tpu.memory_space<semaphore_mem>>) src(%dma_wait3A_59 : memref<45056x128xf32, #tpu.memory_space<hbm>>) dst(%arg8 : memref<128x128xf32, #tpu.memory_space<vmem>>)
      "tpu.region"() ({
        %run_scoped3A = tpu.sem_alloc : memref<!tpu.dma_semaphore, #tpu.memory_space<semaphore_mem>>
        %dma_start3A_74 = arith.constant 0 : i32
        %dma_start3A_75 = tpu.memref_slice %arg7[%mul3A_46, %dma_start3A_74] : memref<48x128xi32, #tpu.memory_space<vmem>> -> memref<1x128xi32, #tpu.memory_space<vmem>>
        %dma_start3A_76 = tpu.memref_squeeze %dma_start3A_75 : memref<1x128xi32, #tpu.memory_space<vmem>> -> memref<128xi32, #tpu.memory_space<vmem>>
        %dma_start3A_77 = arith.constant 0 : i32
        %dma_start3A_78 = arith.constant 0 : i32
        %dma_start3A_79 = tpu.memref_slice %arg10[%dma_start3A_77, %dma_start3A_78] : memref<10240x128xf32, #tpu.memory_space<vmem_shared>> -> memref<10240x128xf32, #tpu.memory_space<vmem_shared>>
        tpu.enqueue_indirect_dma source(%arg8 : memref<128x128xf32, #tpu.memory_space<vmem>>) target(%dma_start3A_79 : memref<10240x128xf32, #tpu.memory_space<vmem_shared>>) offsets(%dma_start3A_76 : memref<128xi32, #tpu.memory_space<vmem>>) semaphore(%run_scoped3A : memref<!tpu.dma_semaphore, #tpu.memory_space<semaphore_mem>>) {add = true}
        %dma_wait3A_80 = arith.constant 0 : i32
        %dma_wait3A_81 = tpu.memref_slice %arg7[%mul3A_46, %dma_wait3A_80] : memref<48x128xi32, #tpu.memory_space<vmem>> -> memref<1x128xi32, #tpu.memory_space<vmem>>
        %dma_wait3A_82 = tpu.memref_squeeze %dma_wait3A_81 : memref<1x128xi32, #tpu.memory_space<vmem>> -> memref<128xi32, #tpu.memory_space<vmem>>
        %dma_wait3A_83 = arith.constant 0 : i32
        %dma_wait3A_84 = arith.constant 0 : i32
        %dma_wait3A_85 = tpu.memref_slice %arg10[%dma_wait3A_83, %dma_wait3A_84] : memref<10240x128xf32, #tpu.memory_space<vmem_shared>> -> memref<10240x128xf32, #tpu.memory_space<vmem_shared>>
        tpu.wait_indirect_dma semaphore(%run_scoped3A : memref<!tpu.dma_semaphore, #tpu.memory_space<semaphore_mem>>) src(%arg8 : memref<128x128xf32, #tpu.memory_space<vmem>>) dst(%dma_wait3A_85 : memref<10240x128xf32, #tpu.memory_space<vmem_shared>>)
        tpu.yield
      }) : () -> ()
      %add3A_60 = arith.constant 2 : i32
      %add3A_61 = arith.addi %mul3A_46, %add3A_60 : i32
      %lt3A = arith.constant 48 : i32
      %lt3A_62 = arith.cmpi slt, %add3A_61, %lt3A : i32
      %convert_element_type3A = arith.extui %lt3A_62 : i1 to i32
      %cond3A = arith.constant 0 : i32
      %cond3A_63 = arith.cmpi ne, %convert_element_type3A, %cond3A : i32
      scf.if %cond3A_63 {
        %add3A_74 = arith.constant 2 : i32
        %add3A_75 = arith.addi %mul3A_46, %add3A_74 : i32
        %dma_start3A_76 = arith.constant 0 : i32
        %dma_start3A_77 = tpu.memref_slice %arg6[%add3A_75, %dma_start3A_76] : memref<48x128xi32, #tpu.memory_space<vmem>> -> memref<1x128xi32, #tpu.memory_space<vmem>>
        %dma_start3A_78 = tpu.memref_squeeze %dma_start3A_77 : memref<1x128xi32, #tpu.memory_space<vmem>> -> memref<128xi32, #tpu.memory_space<vmem>>
        %dma_start3A_79 = arith.constant 0 : i32
        %dma_start3A_80 = arith.constant 0 : i32
        %dma_start3A_81 = tpu.memref_slice %arg2[%dma_start3A_79, %dma_start3A_80] : memref<45056x128xf32, #tpu.memory_space<hbm>> -> memref<45056x128xf32, #tpu.memory_space<hbm>>
        tpu.enqueue_indirect_dma source(%dma_start3A_81 : memref<45056x128xf32, #tpu.memory_space<hbm>>) target(%arg8 : memref<128x128xf32, #tpu.memory_space<vmem>>) offsets(%dma_start3A_78 : memref<128xi32, #tpu.memory_space<vmem>>) semaphore(%arg11 : memref<!tpu.dma_semaphore, #tpu.memory_space<semaphore_mem>>)
      } else {
      }
      %add3A_64 = arith.constant 1 : i32
      %add3A_65 = arith.addi %mul3A_46, %add3A_64 : i32
      %dma_wait3A_66 = arith.constant 0 : i32
      %dma_wait3A_67 = tpu.memref_slice %arg6[%add3A_65, %dma_wait3A_66] : memref<48x128xi32, #tpu.memory_space<vmem>> -> memref<1x128xi32, #tpu.memory_space<vmem>>
      %dma_wait3A_68 = tpu.memref_squeeze %dma_wait3A_67 : memref<1x128xi32, #tpu.memory_space<vmem>> -> memref<128xi32, #tpu.memory_space<vmem>>
      %dma_wait3A_69 = arith.constant 0 : i32
      %dma_wait3A_70 = arith.constant 0 : i32
      %dma_wait3A_71 = tpu.memref_slice %arg2[%dma_wait3A_69, %dma_wait3A_70] : memref<45056x128xf32, #tpu.memory_space<hbm>> -> memref<45056x128xf32, #tpu.memory_space<hbm>>
      tpu.wait_indirect_dma semaphore(%arg12 : memref<!tpu.dma_semaphore, #tpu.memory_space<semaphore_mem>>) src(%dma_wait3A_71 : memref<45056x128xf32, #tpu.memory_space<hbm>>) dst(%arg9 : memref<128x128xf32, #tpu.memory_space<vmem>>)
      %add3A_72 = arith.constant 1 : i32
      %add3A_73 = arith.addi %mul3A_46, %add3A_72 : i32
      "tpu.region"() ({
        %run_scoped3A = tpu.sem_alloc : memref<!tpu.dma_semaphore, #tpu.memory_space<semaphore_mem>>
        %dma_start3A_74 = arith.constant 0 : i32
        %dma_start3A_75 = tpu.memref_slice %arg7[%add3A_73, %dma_start3A_74] : memref<48x128xi32, #tpu.memory_space<vmem>> -> memref<1x128xi32, #tpu.memory_space<vmem>>
        %dma_start3A_76 = tpu.memref_squeeze %dma_start3A_75 : memref<1x128xi32, #tpu.memory_space<vmem>> -> memref<128xi32, #tpu.memory_space<vmem>>
        %dma_start3A_77 = arith.constant 0 : i32
        %dma_start3A_78 = arith.constant 0 : i32
        %dma_start3A_79 = tpu.memref_slice %arg10[%dma_start3A_77, %dma_start3A_78] : memref<10240x128xf32, #tpu.memory_space<vmem_shared>> -> memref<10240x128xf32, #tpu.memory_space<vmem_shared>>
        tpu.enqueue_indirect_dma source(%arg9 : memref<128x128xf32, #tpu.memory_space<vmem>>) target(%dma_start3A_79 : memref<10240x128xf32, #tpu.memory_space<vmem_shared>>) offsets(%dma_start3A_76 : memref<128xi32, #tpu.memory_space<vmem>>) semaphore(%run_scoped3A : memref<!tpu.dma_semaphore, #tpu.memory_space<semaphore_mem>>) {add = true}
        %dma_wait3A_80 = arith.constant 0 : i32
        %dma_wait3A_81 = tpu.memref_slice %arg7[%add3A_73, %dma_wait3A_80] : memref<48x128xi32, #tpu.memory_space<vmem>> -> memref<1x128xi32, #tpu.memory_space<vmem>>
        %dma_wait3A_82 = tpu.memref_squeeze %dma_wait3A_81 : memref<1x128xi32, #tpu.memory_space<vmem>> -> memref<128xi32, #tpu.memory_space<vmem>>
        %dma_wait3A_83 = arith.constant 0 : i32
        %dma_wait3A_84 = arith.constant 0 : i32
        %dma_wait3A_85 = tpu.memref_slice %arg10[%dma_wait3A_83, %dma_wait3A_84] : memref<10240x128xf32, #tpu.memory_space<vmem_shared>> -> memref<10240x128xf32, #tpu.memory_space<vmem_shared>>
        tpu.wait_indirect_dma semaphore(%run_scoped3A : memref<!tpu.dma_semaphore, #tpu.memory_space<semaphore_mem>>) src(%arg9 : memref<128x128xf32, #tpu.memory_space<vmem>>) dst(%dma_wait3A_85 : memref<10240x128xf32, #tpu.memory_space<vmem_shared>>)
        tpu.yield
      }) : () -> ()
    }
    %scan3A_29 = arith.constant 24 : i32
    "tpu.region"() ({
      %run_scoped3A = tpu.sem_alloc : memref<!tpu.dma_semaphore, #tpu.memory_space<semaphore_mem>>
      %dma_start3A_44 = arith.constant 0 : i32
      %dma_start3A_45 = arith.constant 0 : i32
      %dma_start3A_46 = tpu.memref_slice %arg6[%dma_start3A_44, %dma_start3A_45] : memref<48x128xi32, #tpu.memory_space<vmem>> -> memref<40x128xi32, #tpu.memory_space<vmem>>
      %dma_start3A_47 = arith.constant 48 : i32
      %dma_start3A_48 = arith.constant 0 : i32
      %dma_start3A_49 = tpu.memref_slice %arg3[%add3A, %dma_start3A_47, %dma_start3A_48] : memref<32x88x128xi32, #tpu.memory_space<hbm>> -> memref<1x40x128xi32, #tpu.memory_space<hbm>>
      %dma_start3A_50 = tpu.memref_squeeze %dma_start3A_49 : memref<1x40x128xi32, #tpu.memory_space<hbm>> -> memref<40x128xi32, #tpu.memory_space<hbm>>
      %dma_start3A_51 = arith.constant 0 : i32
      %dma_start3A_52 = arith.constant 0 : i32
      %dma_start3A_53 = tpu.memref_slice %arg6[%dma_start3A_51, %dma_start3A_52] : memref<48x128xi32, #tpu.memory_space<vmem>> -> memref<40x128xi32, #tpu.memory_space<vmem>>
      %dma_start3A_54 = arith.constant 48 : i32
      %dma_start3A_55 = arith.constant 0 : i32
      %dma_start3A_56 = tpu.memref_slice %arg3[%add3A, %dma_start3A_54, %dma_start3A_55] : memref<32x88x128xi32, #tpu.memory_space<hbm>> -> memref<1x40x128xi32, #tpu.memory_space<hbm>>
      %dma_start3A_57 = tpu.memref_squeeze %dma_start3A_56 : memref<1x40x128xi32, #tpu.memory_space<hbm>> -> memref<40x128xi32, #tpu.memory_space<hbm>>
      tpu.enqueue_dma source(%dma_start3A_57 : memref<40x128xi32, #tpu.memory_space<hbm>>) target(%dma_start3A_53 : memref<40x128xi32, #tpu.memory_space<vmem>>) target_semaphore(%run_scoped3A : memref<!tpu.dma_semaphore, #tpu.memory_space<semaphore_mem>>)
      %dma_wait3A = arith.constant 0 : i32
      %dma_wait3A_58 = arith.constant 0 : i32
      %dma_wait3A_59 = tpu.memref_slice %arg6[%dma_wait3A, %dma_wait3A_58] : memref<48x128xi32, #tpu.memory_space<vmem>> -> memref<40x128xi32, #tpu.memory_space<vmem>>
      %dma_wait3A_60 = arith.constant 48 : i32
      %dma_wait3A_61 = arith.constant 0 : i32
      %dma_wait3A_62 = tpu.memref_slice %arg3[%add3A, %dma_wait3A_60, %dma_wait3A_61] : memref<32x88x128xi32, #tpu.memory_space<hbm>> -> memref<1x40x128xi32, #tpu.memory_space<hbm>>
      %dma_wait3A_63 = tpu.memref_squeeze %dma_wait3A_62 : memref<1x40x128xi32, #tpu.memory_space<hbm>> -> memref<40x128xi32, #tpu.memory_space<hbm>>
      %dma_wait3A_64 = arith.constant 0 : i32
      %dma_wait3A_65 = arith.constant 0 : i32
      %dma_wait3A_66 = tpu.memref_slice %arg6[%dma_wait3A_64, %dma_wait3A_65] : memref<48x128xi32, #tpu.memory_space<vmem>> -> memref<40x128xi32, #tpu.memory_space<vmem>>
      %dma_wait3A_67 = arith.constant 48 : i32
      %dma_wait3A_68 = arith.constant 0 : i32
      %dma_wait3A_69 = tpu.memref_slice %arg3[%add3A, %dma_wait3A_67, %dma_wait3A_68] : memref<32x88x128xi32, #tpu.memory_space<hbm>> -> memref<1x40x128xi32, #tpu.memory_space<hbm>>
      %dma_wait3A_70 = tpu.memref_squeeze %dma_wait3A_69 : memref<1x40x128xi32, #tpu.memory_space<hbm>> -> memref<40x128xi32, #tpu.memory_space<hbm>>
      tpu.wait_dma2 semaphore(%run_scoped3A : memref<!tpu.dma_semaphore, #tpu.memory_space<semaphore_mem>>) src(%dma_wait3A_70 : memref<40x128xi32, #tpu.memory_space<hbm>>) dst(%dma_wait3A_66 : memref<40x128xi32, #tpu.memory_space<vmem>>)
      tpu.yield
    }) : () -> ()
    "tpu.region"() ({
      %run_scoped3A = tpu.sem_alloc : memref<!tpu.dma_semaphore, #tpu.memory_space<semaphore_mem>>
      %dma_start3A_44 = arith.constant 0 : i32
      %dma_start3A_45 = arith.constant 0 : i32
      %dma_start3A_46 = tpu.memref_slice %arg7[%dma_start3A_44, %dma_start3A_45] : memref<48x128xi32, #tpu.memory_space<vmem>> -> memref<40x128xi32, #tpu.memory_space<vmem>>
      %dma_start3A_47 = arith.constant 48 : i32
      %dma_start3A_48 = arith.constant 0 : i32
      %dma_start3A_49 = tpu.memref_slice %arg4[%add3A, %dma_start3A_47, %dma_start3A_48] : memref<32x88x128xi32, #tpu.memory_space<hbm>> -> memref<1x40x128xi32, #tpu.memory_space<hbm>>
      %dma_start3A_50 = tpu.memref_squeeze %dma_start3A_49 : memref<1x40x128xi32, #tpu.memory_space<hbm>> -> memref<40x128xi32, #tpu.memory_space<hbm>>
      %dma_start3A_51 = arith.constant 0 : i32
      %dma_start3A_52 = arith.constant 0 : i32
      %dma_start3A_53 = tpu.memref_slice %arg7[%dma_start3A_51, %dma_start3A_52] : memref<48x128xi32, #tpu.memory_space<vmem>> -> memref<40x128xi32, #tpu.memory_space<vmem>>
      %dma_start3A_54 = arith.constant 48 : i32
      %dma_start3A_55 = arith.constant 0 : i32
      %dma_start3A_56 = tpu.memref_slice %arg4[%add3A, %dma_start3A_54, %dma_start3A_55] : memref<32x88x128xi32, #tpu.memory_space<hbm>> -> memref<1x40x128xi32, #tpu.memory_space<hbm>>
      %dma_start3A_57 = tpu.memref_squeeze %dma_start3A_56 : memref<1x40x128xi32, #tpu.memory_space<hbm>> -> memref<40x128xi32, #tpu.memory_space<hbm>>
      tpu.enqueue_dma source(%dma_start3A_57 : memref<40x128xi32, #tpu.memory_space<hbm>>) target(%dma_start3A_53 : memref<40x128xi32, #tpu.memory_space<vmem>>) target_semaphore(%run_scoped3A : memref<!tpu.dma_semaphore, #tpu.memory_space<semaphore_mem>>)
      %dma_wait3A = arith.constant 0 : i32
      %dma_wait3A_58 = arith.constant 0 : i32
      %dma_wait3A_59 = tpu.memref_slice %arg7[%dma_wait3A, %dma_wait3A_58] : memref<48x128xi32, #tpu.memory_space<vmem>> -> memref<40x128xi32, #tpu.memory_space<vmem>>
      %dma_wait3A_60 = arith.constant 48 : i32
      %dma_wait3A_61 = arith.constant 0 : i32
      %dma_wait3A_62 = tpu.memref_slice %arg4[%add3A, %dma_wait3A_60, %dma_wait3A_61] : memref<32x88x128xi32, #tpu.memory_space<hbm>> -> memref<1x40x128xi32, #tpu.memory_space<hbm>>
      %dma_wait3A_63 = tpu.memref_squeeze %dma_wait3A_62 : memref<1x40x128xi32, #tpu.memory_space<hbm>> -> memref<40x128xi32, #tpu.memory_space<hbm>>
      %dma_wait3A_64 = arith.constant 0 : i32
      %dma_wait3A_65 = arith.constant 0 : i32
      %dma_wait3A_66 = tpu.memref_slice %arg7[%dma_wait3A_64, %dma_wait3A_65] : memref<48x128xi32, #tpu.memory_space<vmem>> -> memref<40x128xi32, #tpu.memory_space<vmem>>
      %dma_wait3A_67 = arith.constant 48 : i32
      %dma_wait3A_68 = arith.constant 0 : i32
      %dma_wait3A_69 = tpu.memref_slice %arg4[%add3A, %dma_wait3A_67, %dma_wait3A_68] : memref<32x88x128xi32, #tpu.memory_space<hbm>> -> memref<1x40x128xi32, #tpu.memory_space<hbm>>
      %dma_wait3A_70 = tpu.memref_squeeze %dma_wait3A_69 : memref<1x40x128xi32, #tpu.memory_space<hbm>> -> memref<40x128xi32, #tpu.memory_space<hbm>>
      tpu.wait_dma2 semaphore(%run_scoped3A : memref<!tpu.dma_semaphore, #tpu.memory_space<semaphore_mem>>) src(%dma_wait3A_70 : memref<40x128xi32, #tpu.memory_space<hbm>>) dst(%dma_wait3A_66 : memref<40x128xi32, #tpu.memory_space<vmem>>)
      tpu.yield
    }) : () -> ()
    %dma_start3A_30 = arith.constant 0 : i32
    %dma_start3A_31 = arith.constant 0 : i32
    %dma_start3A_32 = tpu.memref_slice %arg6[%dma_start3A_30, %dma_start3A_31] : memref<48x128xi32, #tpu.memory_space<vmem>> -> memref<1x128xi32, #tpu.memory_space<vmem>>
    %dma_start3A_33 = tpu.memref_squeeze %dma_start3A_32 : memref<1x128xi32, #tpu.memory_space<vmem>> -> memref<128xi32, #tpu.memory_space<vmem>>
    %dma_start3A_34 = arith.constant 0 : i32
    %dma_start3A_35 = arith.constant 0 : i32
    %dma_start3A_36 = tpu.memref_slice %arg2[%dma_start3A_34, %dma_start3A_35] : memref<45056x128xf32, #tpu.memory_space<hbm>> -> memref<45056x128xf32, #tpu.memory_space<hbm>>
    tpu.enqueue_indirect_dma source(%dma_start3A_36 : memref<45056x128xf32, #tpu.memory_space<hbm>>) target(%arg8 : memref<128x128xf32, #tpu.memory_space<vmem>>) offsets(%dma_start3A_33 : memref<128xi32, #tpu.memory_space<vmem>>) semaphore(%arg11 : memref<!tpu.dma_semaphore, #tpu.memory_space<semaphore_mem>>)
    %scan3A_37 = arith.constant 0 : i32
    %scan3A_38 = arith.constant 0 : i32
    %scan3A_39 = arith.constant 20 : i32
    %scan3A_40 = arith.addi %scan3A_38, %scan3A_39 : i32
    %scan3A_41 = arith.constant 1 : i32
    scf.for %scan3A_44 = %scan3A_38 to %scan3A_40 step %scan3A_41  : i32 {
      %mul3A_45 = arith.constant 2 : i32
      %mul3A_46 = arith.muli %mul3A_45, %scan3A_44 : i32
      %add3A_47 = arith.constant 1 : i32
      %add3A_48 = arith.addi %mul3A_46, %add3A_47 : i32
      %dma_start3A_49 = arith.constant 0 : i32
      %dma_start3A_50 = tpu.memref_slice %arg6[%add3A_48, %dma_start3A_49] : memref<48x128xi32, #tpu.memory_space<vmem>> -> memref<1x128xi32, #tpu.memory_space<vmem>>
      %dma_start3A_51 = tpu.memref_squeeze %dma_start3A_50 : memref<1x128xi32, #tpu.memory_space<vmem>> -> memref<128xi32, #tpu.memory_space<vmem>>
      %dma_start3A_52 = arith.constant 0 : i32
      %dma_start3A_53 = arith.constant 0 : i32
      %dma_start3A_54 = tpu.memref_slice %arg2[%dma_start3A_52, %dma_start3A_53] : memref<45056x128xf32, #tpu.memory_space<hbm>> -> memref<45056x128xf32, #tpu.memory_space<hbm>>
      tpu.enqueue_indirect_dma source(%dma_start3A_54 : memref<45056x128xf32, #tpu.memory_space<hbm>>) target(%arg9 : memref<128x128xf32, #tpu.memory_space<vmem>>) offsets(%dma_start3A_51 : memref<128xi32, #tpu.memory_space<vmem>>) semaphore(%arg12 : memref<!tpu.dma_semaphore, #tpu.memory_space<semaphore_mem>>)
      %dma_wait3A = arith.constant 0 : i32
      %dma_wait3A_55 = tpu.memref_slice %arg6[%mul3A_46, %dma_wait3A] : memref<48x128xi32, #tpu.memory_space<vmem>> -> memref<1x128xi32, #tpu.memory_space<vmem>>
      %dma_wait3A_56 = tpu.memref_squeeze %dma_wait3A_55 : memref<1x128xi32, #tpu.memory_space<vmem>> -> memref<128xi32, #tpu.memory_space<vmem>>
      %dma_wait3A_57 = arith.constant 0 : i32
      %dma_wait3A_58 = arith.constant 0 : i32
      %dma_wait3A_59 = tpu.memref_slice %arg2[%dma_wait3A_57, %dma_wait3A_58] : memref<45056x128xf32, #tpu.memory_space<hbm>> -> memref<45056x128xf32, #tpu.memory_space<hbm>>
      tpu.wait_indirect_dma semaphore(%arg11 : memref<!tpu.dma_semaphore, #tpu.memory_space<semaphore_mem>>) src(%dma_wait3A_59 : memref<45056x128xf32, #tpu.memory_space<hbm>>) dst(%arg8 : memref<128x128xf32, #tpu.memory_space<vmem>>)
      "tpu.region"() ({
        %run_scoped3A = tpu.sem_alloc : memref<!tpu.dma_semaphore, #tpu.memory_space<semaphore_mem>>
        %dma_start3A_74 = arith.constant 0 : i32
        %dma_start3A_75 = tpu.memref_slice %arg7[%mul3A_46, %dma_start3A_74] : memref<48x128xi32, #tpu.memory_space<vmem>> -> memref<1x128xi32, #tpu.memory_space<vmem>>
        %dma_start3A_76 = tpu.memref_squeeze %dma_start3A_75 : memref<1x128xi32, #tpu.memory_space<vmem>> -> memref<128xi32, #tpu.memory_space<vmem>>
        %dma_start3A_77 = arith.constant 0 : i32
        %dma_start3A_78 = arith.constant 0 : i32
        %dma_start3A_79 = tpu.memref_slice %arg10[%dma_start3A_77, %dma_start3A_78] : memref<10240x128xf32, #tpu.memory_space<vmem_shared>> -> memref<10240x128xf32, #tpu.memory_space<vmem_shared>>
        tpu.enqueue_indirect_dma source(%arg8 : memref<128x128xf32, #tpu.memory_space<vmem>>) target(%dma_start3A_79 : memref<10240x128xf32, #tpu.memory_space<vmem_shared>>) offsets(%dma_start3A_76 : memref<128xi32, #tpu.memory_space<vmem>>) semaphore(%run_scoped3A : memref<!tpu.dma_semaphore, #tpu.memory_space<semaphore_mem>>) {add = true}
        %dma_wait3A_80 = arith.constant 0 : i32
        %dma_wait3A_81 = tpu.memref_slice %arg7[%mul3A_46, %dma_wait3A_80] : memref<48x128xi32, #tpu.memory_space<vmem>> -> memref<1x128xi32, #tpu.memory_space<vmem>>
        %dma_wait3A_82 = tpu.memref_squeeze %dma_wait3A_81 : memref<1x128xi32, #tpu.memory_space<vmem>> -> memref<128xi32, #tpu.memory_space<vmem>>
        %dma_wait3A_83 = arith.constant 0 : i32
        %dma_wait3A_84 = arith.constant 0 : i32
        %dma_wait3A_85 = tpu.memref_slice %arg10[%dma_wait3A_83, %dma_wait3A_84] : memref<10240x128xf32, #tpu.memory_space<vmem_shared>> -> memref<10240x128xf32, #tpu.memory_space<vmem_shared>>
        tpu.wait_indirect_dma semaphore(%run_scoped3A : memref<!tpu.dma_semaphore, #tpu.memory_space<semaphore_mem>>) src(%arg8 : memref<128x128xf32, #tpu.memory_space<vmem>>) dst(%dma_wait3A_85 : memref<10240x128xf32, #tpu.memory_space<vmem_shared>>)
        tpu.yield
      }) : () -> ()
      %add3A_60 = arith.constant 2 : i32
      %add3A_61 = arith.addi %mul3A_46, %add3A_60 : i32
      %lt3A = arith.constant 40 : i32
      %lt3A_62 = arith.cmpi slt, %add3A_61, %lt3A : i32
      %convert_element_type3A = arith.extui %lt3A_62 : i1 to i32
      %cond3A = arith.constant 0 : i32
      %cond3A_63 = arith.cmpi ne, %convert_element_type3A, %cond3A : i32
      scf.if %cond3A_63 {
        %add3A_74 = arith.constant 2 : i32
        %add3A_75 = arith.addi %mul3A_46, %add3A_74 : i32
        %dma_start3A_76 = arith.constant 0 : i32
        %dma_start3A_77 = tpu.memref_slice %arg6[%add3A_75, %dma_start3A_76] : memref<48x128xi32, #tpu.memory_space<vmem>> -> memref<1x128xi32, #tpu.memory_space<vmem>>
        %dma_start3A_78 = tpu.memref_squeeze %dma_start3A_77 : memref<1x128xi32, #tpu.memory_space<vmem>> -> memref<128xi32, #tpu.memory_space<vmem>>
        %dma_start3A_79 = arith.constant 0 : i32
        %dma_start3A_80 = arith.constant 0 : i32
        %dma_start3A_81 = tpu.memref_slice %arg2[%dma_start3A_79, %dma_start3A_80] : memref<45056x128xf32, #tpu.memory_space<hbm>> -> memref<45056x128xf32, #tpu.memory_space<hbm>>
        tpu.enqueue_indirect_dma source(%dma_start3A_81 : memref<45056x128xf32, #tpu.memory_space<hbm>>) target(%arg8 : memref<128x128xf32, #tpu.memory_space<vmem>>) offsets(%dma_start3A_78 : memref<128xi32, #tpu.memory_space<vmem>>) semaphore(%arg11 : memref<!tpu.dma_semaphore, #tpu.memory_space<semaphore_mem>>)
      } else {
      }
      %add3A_64 = arith.constant 1 : i32
      %add3A_65 = arith.addi %mul3A_46, %add3A_64 : i32
      %dma_wait3A_66 = arith.constant 0 : i32
      %dma_wait3A_67 = tpu.memref_slice %arg6[%add3A_65, %dma_wait3A_66] : memref<48x128xi32, #tpu.memory_space<vmem>> -> memref<1x128xi32, #tpu.memory_space<vmem>>
      %dma_wait3A_68 = tpu.memref_squeeze %dma_wait3A_67 : memref<1x128xi32, #tpu.memory_space<vmem>> -> memref<128xi32, #tpu.memory_space<vmem>>
      %dma_wait3A_69 = arith.constant 0 : i32
      %dma_wait3A_70 = arith.constant 0 : i32
      %dma_wait3A_71 = tpu.memref_slice %arg2[%dma_wait3A_69, %dma_wait3A_70] : memref<45056x128xf32, #tpu.memory_space<hbm>> -> memref<45056x128xf32, #tpu.memory_space<hbm>>
      tpu.wait_indirect_dma semaphore(%arg12 : memref<!tpu.dma_semaphore, #tpu.memory_space<semaphore_mem>>) src(%dma_wait3A_71 : memref<45056x128xf32, #tpu.memory_space<hbm>>) dst(%arg9 : memref<128x128xf32, #tpu.memory_space<vmem>>)
      %add3A_72 = arith.constant 1 : i32
      %add3A_73 = arith.addi %mul3A_46, %add3A_72 : i32
      "tpu.region"() ({
        %run_scoped3A = tpu.sem_alloc : memref<!tpu.dma_semaphore, #tpu.memory_space<semaphore_mem>>
        %dma_start3A_74 = arith.constant 0 : i32
        %dma_start3A_75 = tpu.memref_slice %arg7[%add3A_73, %dma_start3A_74] : memref<48x128xi32, #tpu.memory_space<vmem>> -> memref<1x128xi32, #tpu.memory_space<vmem>>
        %dma_start3A_76 = tpu.memref_squeeze %dma_start3A_75 : memref<1x128xi32, #tpu.memory_space<vmem>> -> memref<128xi32, #tpu.memory_space<vmem>>
        %dma_start3A_77 = arith.constant 0 : i32
        %dma_start3A_78 = arith.constant 0 : i32
        %dma_start3A_79 = tpu.memref_slice %arg10[%dma_start3A_77, %dma_start3A_78] : memref<10240x128xf32, #tpu.memory_space<vmem_shared>> -> memref<10240x128xf32, #tpu.memory_space<vmem_shared>>
        tpu.enqueue_indirect_dma source(%arg9 : memref<128x128xf32, #tpu.memory_space<vmem>>) target(%dma_start3A_79 : memref<10240x128xf32, #tpu.memory_space<vmem_shared>>) offsets(%dma_start3A_76 : memref<128xi32, #tpu.memory_space<vmem>>) semaphore(%run_scoped3A : memref<!tpu.dma_semaphore, #tpu.memory_space<semaphore_mem>>) {add = true}
        %dma_wait3A_80 = arith.constant 0 : i32
        %dma_wait3A_81 = tpu.memref_slice %arg7[%add3A_73, %dma_wait3A_80] : memref<48x128xi32, #tpu.memory_space<vmem>> -> memref<1x128xi32, #tpu.memory_space<vmem>>
        %dma_wait3A_82 = tpu.memref_squeeze %dma_wait3A_81 : memref<1x128xi32, #tpu.memory_space<vmem>> -> memref<128xi32, #tpu.memory_space<vmem>>
        %dma_wait3A_83 = arith.constant 0 : i32
        %dma_wait3A_84 = arith.constant 0 : i32
        %dma_wait3A_85 = tpu.memref_slice %arg10[%dma_wait3A_83, %dma_wait3A_84] : memref<10240x128xf32, #tpu.memory_space<vmem_shared>> -> memref<10240x128xf32, #tpu.memory_space<vmem_shared>>
        tpu.wait_indirect_dma semaphore(%run_scoped3A : memref<!tpu.dma_semaphore, #tpu.memory_space<semaphore_mem>>) src(%arg9 : memref<128x128xf32, #tpu.memory_space<vmem>>) dst(%dma_wait3A_85 : memref<10240x128xf32, #tpu.memory_space<vmem_shared>>)
        tpu.yield
      }) : () -> ()
    }
    %scan3A_42 = arith.constant 20 : i32
    %barrier3A_43 = arith.constant 0 : index
    tpu.barrier barrier_id(%barrier3A_43)
    "tpu.region"() ({
      %run_scoped3A = tpu.sem_alloc : memref<!tpu.dma_semaphore, #tpu.memory_space<semaphore_mem>>
      %dma_start3A_44 = arith.constant 0 : i32
      %dma_start3A_45 = tpu.memref_slice %arg5[%arg0, %mul3A_7, %dma_start3A_44] : memref<2x10240x128xf32, #tpu.memory_space<hbm>> -> memref<1x640x128xf32, #tpu.memory_space<hbm>>
      %dma_start3A_46 = tpu.memref_squeeze %dma_start3A_45 : memref<1x640x128xf32, #tpu.memory_space<hbm>> -> memref<640x128xf32, #tpu.memory_space<hbm>>
      %dma_start3A_47 = arith.constant 0 : i32
      %dma_start3A_48 = tpu.memref_slice %arg10[%mul3A_7, %dma_start3A_47] : memref<10240x128xf32, #tpu.memory_space<vmem_shared>> -> memref<640x128xf32, #tpu.memory_space<vmem_shared>>
      tpu.enqueue_dma source(%dma_start3A_48 : memref<640x128xf32, #tpu.memory_space<vmem_shared>>) target(%dma_start3A_46 : memref<640x128xf32, #tpu.memory_space<hbm>>) target_semaphore(%run_scoped3A : memref<!tpu.dma_semaphore, #tpu.memory_space<semaphore_mem>>)
      %dma_wait3A = arith.constant 0 : i32
      %dma_wait3A_49 = tpu.memref_slice %arg5[%arg0, %mul3A_7, %dma_wait3A] : memref<2x10240x128xf32, #tpu.memory_space<hbm>> -> memref<1x640x128xf32, #tpu.memory_space<hbm>>
      %dma_wait3A_50 = tpu.memref_squeeze %dma_wait3A_49 : memref<1x640x128xf32, #tpu.memory_space<hbm>> -> memref<640x128xf32, #tpu.memory_space<hbm>>
      %dma_wait3A_51 = arith.constant 0 : i32
      %dma_wait3A_52 = tpu.memref_slice %arg10[%mul3A_7, %dma_wait3A_51] : memref<10240x128xf32, #tpu.memory_space<vmem_shared>> -> memref<640x128xf32, #tpu.memory_space<vmem_shared>>
      tpu.wait_dma2 semaphore(%run_scoped3A : memref<!tpu.dma_semaphore, #tpu.memory_space<semaphore_mem>>) src(%dma_wait3A_52 : memref<640x128xf32, #tpu.memory_space<vmem_shared>>) dst(%dma_wait3A_50 : memref<640x128xf32, #tpu.memory_space<hbm>>)
      tpu.yield
    }) : () -> ()
    return
  }
}

module attributes {stable_mosaic.version = 14 : i64} {
  func.func @_table_x_kernel(%arg0: i32, %arg1: memref<1024x128xf32, #tpu.memory_space<vmem>>, %arg2: memref<4x128xf32, #tpu.memory_space<vmem>>, %arg3: memref<8x128xf32, #tpu.memory_space<vmem>>, %arg4: memref<4096x128xf32, #tpu.memory_space<vmem>>) attributes {dimension_semantics = [#tpu.dimension_semantics<arbitrary>], iteration_bounds = array<i64: 11>, scalar_prefetch = 0 : i64, scratch_operands = 0 : i64, tpu.core_type = #tpu.core_type<tc>, window_params = [{transform_indices = @transform_0, window_bounds = array<i64: 1024, 128>}, {pipeline_mode = #tpu.pipeline_mode<synchronous>, transform_indices = @transform_1, window_bounds = array<i64: 4, 128>}, {pipeline_mode = #tpu.pipeline_mode<synchronous>, transform_indices = @transform_2, window_bounds = array<i64: 8, 128>}, {transform_indices = @transform_3, window_bounds = array<i64: 4096, 128>}]} {
    %lt3A = arith.constant 10 : i32
    %lt3A_0 = arith.cmpi slt, %arg0, %lt3A : i32
    %convert_element_type3A = arith.extui %lt3A_0 : i1 to i32
    %cond3A = arith.constant 0 : i32
    %cond3A_1 = arith.cmpi ne, %convert_element_type3A, %cond3A : i32
    scf.if %cond3A_1 {
      %get3A = arith.constant 0 : index
      %get3A_6 = arith.constant 0 : index
      %get3A_7 = vector.load %arg1[%get3A, %get3A_6] : memref<1024x128xf32, #tpu.memory_space<vmem>>, vector<1024x128xf32>
      %broadcast_in_dim3A = vector.shape_cast %get3A_7 : vector<1024x128xf32> to vector<1024x1x128xf32>
      %get3A_8 = arith.constant 0 : index
      %get3A_9 = arith.constant 0 : index
      %get3A_10 = vector.load %arg2[%get3A_8, %get3A_9] : memref<4x128xf32, #tpu.memory_space<vmem>>, vector<4x128xf32>
      %broadcast_in_dim3A_11 = vector.shape_cast %get3A_10 : vector<4x128xf32> to vector<1x4x128xf32>
      %mul3A = vector.broadcast %broadcast_in_dim3A : vector<1024x1x128xf32> to vector<1024x4x128xf32>
      %mul3A_12 = vector.broadcast %broadcast_in_dim3A_11 : vector<1x4x128xf32> to vector<1024x4x128xf32>
      %mul3A_13 = arith.mulf %mul3A, %mul3A_12 : vector<1024x4x128xf32>
      %reshape3A = vector.shape_cast %mul3A_13 : vector<1024x4x128xf32> to vector<4096x128xf32>
      %swap3A = arith.constant 0 : index
      %swap3A_14 = arith.constant 0 : index
      %swap3A_15 = vector.load %arg4[%swap3A, %swap3A_14] : memref<4096x128xf32, #tpu.memory_space<vmem>>, vector<4096x128xf32>
      tpu.vector_store %arg4[%swap3A, %swap3A_14], %reshape3A {strides = array<i32>} : memref<4096x128xf32, #tpu.memory_space<vmem>>, vector<4096x128xf32>,
    } else {
    }
    %eq3A = arith.constant 10 : i32
    %eq3A_2 = arith.cmpi eq, %arg0, %eq3A : i32
    %convert_element_type3A_3 = arith.extui %eq3A_2 : i1 to i32
    %cond3A_4 = arith.constant 0 : i32
    %cond3A_5 = arith.cmpi ne, %convert_element_type3A_3, %cond3A_4 : i32
    scf.if %cond3A_5 {
      %broadcast_in_dim3A = arith.constant 0.000000e+00 : f32
      %broadcast_in_dim3A_6 = vector.broadcast %broadcast_in_dim3A : f32 to vector<4088x128xf32>
      %get3A = arith.constant 0 : index
      %get3A_7 = arith.constant 0 : index
      %get3A_8 = vector.load %arg3[%get3A, %get3A_7] : memref<8x128xf32, #tpu.memory_space<vmem>>, vector<8x128xf32>
      %concatenate3A = tpu.concatenate %get3A_8, %broadcast_in_dim3A_6 in 0 : vector<8x128xf32>, vector<4088x128xf32> -> vector<4096x128xf32>
      %swap3A = arith.constant 0 : index
      %swap3A_9 = arith.constant 0 : index
      %swap3A_10 = vector.load %arg4[%swap3A, %swap3A_9] : memref<4096x128xf32, #tpu.memory_space<vmem>>, vector<4096x128xf32>
      tpu.vector_store %arg4[%swap3A, %swap3A_9], %concatenate3A {strides = array<i32>} : memref<4096x128xf32, #tpu.memory_space<vmem>>, vector<4096x128xf32>,
    } else {
    }
    return
  }
  func.func @transform_0(%arg0: i32) -> (i32, i32) {
    %min3A = arith.constant 9 : i32
    %min3A_0 = arith.minsi %arg0, %min3A : i32
    %c0_i32 = arith.constant 0 : i32
    %c0_i32_1 = arith.constant 0 : i32
    return %min3A_0, %c0_i32 : i32, i32
  }
  func.func @transform_1(%arg0: i32) -> (i32, i32) {
    %c0_i32 = arith.constant 0 : i32
    %c0_i32_0 = arith.constant 0 : i32
    %c0_i32_1 = arith.constant 0 : i32
    return %c0_i32, %c0_i32_0 : i32, i32
  }
  func.func @transform_2(%arg0: i32) -> (i32, i32) {
    %c0_i32 = arith.constant 0 : i32
    %c0_i32_0 = arith.constant 0 : i32
    %c0_i32_1 = arith.constant 0 : i32
    return %c0_i32, %c0_i32_0 : i32, i32
  }
  func.func @transform_3(%arg0: i32) -> (i32, i32) {
    %c0_i32 = arith.constant 0 : i32
    %c0_i32_0 = arith.constant 0 : i32
    return %arg0, %c0_i32 : i32, i32
  }
}

module attributes {stable_mosaic.version = 14 : i64} {
  func.func @_table_h_kernel(%arg0: i32, %arg1: memref<1024x128xf32, #tpu.memory_space<vmem>>, %arg2: memref<1024x128xf32, #tpu.memory_space<vmem>>, %arg3: memref<4x128xf32, #tpu.memory_space<vmem>>, %arg4: memref<8x128xf32, #tpu.memory_space<vmem>>, %arg5: memref<4096x128xf32, #tpu.memory_space<vmem>>) attributes {dimension_semantics = [#tpu.dimension_semantics<arbitrary>], iteration_bounds = array<i64: 11>, scalar_prefetch = 0 : i64, scratch_operands = 0 : i64, tpu.core_type = #tpu.core_type<tc>, window_params = [{transform_indices = @transform_0, window_bounds = array<i64: 1024, 128>}, {transform_indices = @transform_1, window_bounds = array<i64: 1024, 128>}, {pipeline_mode = #tpu.pipeline_mode<synchronous>, transform_indices = @transform_2, window_bounds = array<i64: 4, 128>}, {pipeline_mode = #tpu.pipeline_mode<synchronous>, transform_indices = @transform_3, window_bounds = array<i64: 8, 128>}, {transform_indices = @transform_4, window_bounds = array<i64: 4096, 128>}]} {
    %lt3A = arith.constant 10 : i32
    %lt3A_0 = arith.cmpi slt, %arg0, %lt3A : i32
    %convert_element_type3A = arith.extui %lt3A_0 : i1 to i32
    %cond3A = arith.constant 0 : i32
    %cond3A_1 = arith.cmpi ne, %convert_element_type3A, %cond3A : i32
    scf.if %cond3A_1 {
      %get3A = arith.constant 0 : index
      %get3A_6 = arith.constant 0 : index
      %get3A_7 = vector.load %arg1[%get3A, %get3A_6] : memref<1024x128xf32, #tpu.memory_space<vmem>>, vector<1024x128xf32>
      %get3A_8 = arith.constant 0 : index
      %get3A_9 = arith.constant 0 : index
      %get3A_10 = vector.load %arg2[%get3A_8, %get3A_9] : memref<1024x128xf32, #tpu.memory_space<vmem>>, vector<1024x128xf32>
      %add3A = arith.addf %get3A_7, %get3A_10 : vector<1024x128xf32>
      %tanh3A = math.tanh %add3A : vector<1024x128xf32>
      %broadcast_in_dim3A = vector.shape_cast %tanh3A : vector<1024x128xf32> to vector<1024x1x128xf32>
      %get3A_11 = arith.constant 0 : index
      %get3A_12 = arith.constant 0 : index
      %get3A_13 = vector.load %arg3[%get3A_11, %get3A_12] : memref<4x128xf32, #tpu.memory_space<vmem>>, vector<4x128xf32>
      %broadcast_in_dim3A_14 = vector.shape_cast %get3A_13 : vector<4x128xf32> to vector<1x4x128xf32>
      %mul3A = vector.broadcast %broadcast_in_dim3A : vector<1024x1x128xf32> to vector<1024x4x128xf32>
      %mul3A_15 = vector.broadcast %broadcast_in_dim3A_14 : vector<1x4x128xf32> to vector<1024x4x128xf32>
      %mul3A_16 = arith.mulf %mul3A, %mul3A_15 : vector<1024x4x128xf32>
      %reshape3A = vector.shape_cast %mul3A_16 : vector<1024x4x128xf32> to vector<4096x128xf32>
      %swap3A = arith.constant 0 : index
      %swap3A_17 = arith.constant 0 : index
      %swap3A_18 = vector.load %arg5[%swap3A, %swap3A_17] : memref<4096x128xf32, #tpu.memory_space<vmem>>, vector<4096x128xf32>
      tpu.vector_store %arg5[%swap3A, %swap3A_17], %reshape3A {strides = array<i32>} : memref<4096x128xf32, #tpu.memory_space<vmem>>, vector<4096x128xf32>,
    } else {
    }
    %eq3A = arith.constant 10 : i32
    %eq3A_2 = arith.cmpi eq, %arg0, %eq3A : i32
    %convert_element_type3A_3 = arith.extui %eq3A_2 : i1 to i32
    %cond3A_4 = arith.constant 0 : i32
    %cond3A_5 = arith.cmpi ne, %convert_element_type3A_3, %cond3A_4 : i32
    scf.if %cond3A_5 {
      %broadcast_in_dim3A = arith.constant 0.000000e+00 : f32
      %broadcast_in_dim3A_6 = vector.broadcast %broadcast_in_dim3A : f32 to vector<4088x128xf32>
      %get3A = arith.constant 0 : index
      %get3A_7 = arith.constant 0 : index
      %get3A_8 = vector.load %arg4[%get3A, %get3A_7] : memref<8x128xf32, #tpu.memory_space<vmem>>, vector<8x128xf32>
      %concatenate3A = tpu.concatenate %get3A_8, %broadcast_in_dim3A_6 in 0 : vector<8x128xf32>, vector<4088x128xf32> -> vector<4096x128xf32>
      %swap3A = arith.constant 0 : index
      %swap3A_9 = arith.constant 0 : index
      %swap3A_10 = vector.load %arg5[%swap3A, %swap3A_9] : memref<4096x128xf32, #tpu.memory_space<vmem>>, vector<4096x128xf32>
      tpu.vector_store %arg5[%swap3A, %swap3A_9], %concatenate3A {strides = array<i32>} : memref<4096x128xf32, #tpu.memory_space<vmem>>, vector<4096x128xf32>,
    } else {
    }
    return
  }
  func.func @transform_0(%arg0: i32) -> (i32, i32) {
    %min3A = arith.constant 9 : i32
    %min3A_0 = arith.minsi %arg0, %min3A : i32
    %c0_i32 = arith.constant 0 : i32
    %c0_i32_1 = arith.constant 0 : i32
    return %min3A_0, %c0_i32 : i32, i32
  }
  func.func @transform_1(%arg0: i32) -> (i32, i32) {
    %min3A = arith.constant 9 : i32
    %min3A_0 = arith.minsi %arg0, %min3A : i32
    %c0_i32 = arith.constant 0 : i32
    %c0_i32_1 = arith.constant 0 : i32
    return %min3A_0, %c0_i32 : i32, i32
  }
  func.func @transform_2(%arg0: i32) -> (i32, i32) {
    %c0_i32 = arith.constant 0 : i32
    %c0_i32_0 = arith.constant 0 : i32
    %c0_i32_1 = arith.constant 0 : i32
    return %c0_i32, %c0_i32_0 : i32, i32
  }
  func.func @transform_3(%arg0: i32) -> (i32, i32) {
    %c0_i32 = arith.constant 0 : i32
    %c0_i32_0 = arith.constant 0 : i32
    %c0_i32_1 = arith.constant 0 : i32
    return %c0_i32, %c0_i32_0 : i32, i32
  }
  func.func @transform_4(%arg0: i32) -> (i32, i32) {
    %c0_i32 = arith.constant 0 : i32
    %c0_i32_0 = arith.constant 0 : i32
    return %arg0, %c0_i32 : i32, i32
  }
}

module attributes {stable_mosaic.version = 14 : i64} {
  func.func @_head_kernel(%arg0: i32, %arg1: memref<1024x128xf32, #tpu.memory_space<vmem>>, %arg2: memref<1024x128xf32, #tpu.memory_space<vmem>>, %arg3: memref<1024x8xf32, #tpu.memory_space<vmem>>, %arg4: memref<8x128x20xf32, #tpu.memory_space<vmem>>, %arg5: memref<1x20xf32, #tpu.memory_space<vmem>>, %arg6: memref<20x20xf32, #tpu.memory_space<vmem>>, %arg7: memref<20x20xf32, #tpu.memory_space<vmem>>, %arg8: memref<20x1xf32, #tpu.memory_space<vmem>>, %arg9: memref<1024x1xf32, #tpu.memory_space<vmem>>) attributes {dimension_semantics = [#tpu.dimension_semantics<arbitrary>], iteration_bounds = array<i64: 10>, scalar_prefetch = 0 : i64, scratch_operands = 0 : i64, tpu.core_type = #tpu.core_type<tc>, window_params = [{transform_indices = @transform_0, window_bounds = array<i64: 1024, 128>}, {transform_indices = @transform_1, window_bounds = array<i64: 1024, 128>}, {transform_indices = @transform_2, window_bounds = array<i64: 1024, 8>}, {pipeline_mode = #tpu.pipeline_mode<synchronous>, transform_indices = @transform_3, window_bounds = array<i64: 8, 128, 20>}, {pipeline_mode = #tpu.pipeline_mode<synchronous>, transform_indices = @transform_4, window_bounds = array<i64: 1, 20>}, {pipeline_mode = #tpu.pipeline_mode<synchronous>, transform_indices = @transform_5, window_bounds = array<i64: 20, 20>}, {pipeline_mode = #tpu.pipeline_mode<synchronous>, transform_indices = @transform_6, window_bounds = array<i64: 20, 20>}, {pipeline_mode = #tpu.pipeline_mode<synchronous>, transform_indices = @transform_7, window_bounds = array<i64: 20, 1>}, {transform_indices = @transform_8, window_bounds = array<i64: 1024, 1>}]} {
    %get3A = arith.constant 0 : index
    %get3A_0 = arith.constant 0 : index
    %get3A_1 = vector.load %arg1[%get3A, %get3A_0] : memref<1024x128xf32, #tpu.memory_space<vmem>>, vector<1024x128xf32>
    %get3A_2 = arith.constant 0 : index
    %get3A_3 = arith.constant 0 : index
    %get3A_4 = vector.load %arg2[%get3A_2, %get3A_3] : memref<1024x128xf32, #tpu.memory_space<vmem>>, vector<1024x128xf32>
    %add3A = arith.addf %get3A_1, %get3A_4 : vector<1024x128xf32>
    %tanh3A = math.tanh %add3A : vector<1024x128xf32>
    %broadcast_in_dim3A = arith.constant 0.000000e+00 : f32
    %broadcast_in_dim3A_5 = vector.broadcast %broadcast_in_dim3A : f32 to vector<1024x20xf32>
    %get3A_6 = arith.constant 0 : index
    %get3A_7 = arith.constant 0 : index
    %get3A_8 = arith.constant 0 : index
    %get3A_9 = vector.load %arg4[%get3A_6, %get3A_7, %get3A_8] : memref<8x128x20xf32, #tpu.memory_space<vmem>>, vector<1x128x20xf32>
    %get3A_10 = vector.shape_cast %get3A_9 : vector<1x128x20xf32> to vector<128x20xf32>
    %dot_general3A = arith.constant dense<0.000000e+00> : vector<1024x20xf32>
    %dot_general3A_11 = tpu.matmul %tanh3A, %get3A_10, %dot_general3A {dimension_numbers = #tpu.dot_dimension_numbers<[1], [0], [0], [1], [0, 0, 1, 1], [], []>, transpose_lhs_hint = false} : vector<1024x128xf32>, vector<128x20xf32>, vector<1024x20xf32> -> vector<1024x20xf32>
    %get3A_12 = arith.constant 0 : index
    %get3A_13 = arith.constant 0 : index
    %get3A_14 = vector.load %arg3[%get3A_12, %get3A_13] : memref<1024x8xf32, #tpu.memory_space<vmem>>, vector<1024x1xf32>
    %mul3A = vector.broadcast %get3A_14 : vector<1024x1xf32> to vector<1024x20xf32>
    %mul3A_15 = arith.mulf %mul3A, %dot_general3A_11 : vector<1024x20xf32>
    %add3A_16 = arith.addf %broadcast_in_dim3A_5, %mul3A_15 : vector<1024x20xf32>
    %get3A_17 = arith.constant 1 : index
    %get3A_18 = arith.constant 0 : index
    %get3A_19 = arith.constant 0 : index
    %get3A_20 = vector.load %arg4[%get3A_17, %get3A_18, %get3A_19] : memref<8x128x20xf32, #tpu.memory_space<vmem>>, vector<1x128x20xf32>
    %get3A_21 = vector.shape_cast %get3A_20 : vector<1x128x20xf32> to vector<128x20xf32>
    %dot_general3A_22 = arith.constant dense<0.000000e+00> : vector<1024x20xf32>
    %dot_general3A_23 = tpu.matmul %tanh3A, %get3A_21, %dot_general3A_22 {dimension_numbers = #tpu.dot_dimension_numbers<[1], [0], [0], [1], [0, 0, 1, 1], [], []>, transpose_lhs_hint = false} : vector<1024x128xf32>, vector<128x20xf32>, vector<1024x20xf32> -> vector<1024x20xf32>
    %get3A_24 = arith.constant 0 : index
    %get3A_25 = arith.constant 1 : index
    %get3A_26 = vector.load %arg3[%get3A_24, %get3A_25] : memref<1024x8xf32, #tpu.memory_space<vmem>>, vector<1024x1xf32>
    %mul3A_27 = vector.broadcast %get3A_26 : vector<1024x1xf32> to vector<1024x20xf32>
    %mul3A_28 = arith.mulf %mul3A_27, %dot_general3A_23 : vector<1024x20xf32>
    %add3A_29 = arith.addf %add3A_16, %mul3A_28 : vector<1024x20xf32>
    %get3A_30 = arith.constant 2 : index
    %get3A_31 = arith.constant 0 : index
    %get3A_32 = arith.constant 0 : index
    %get3A_33 = vector.load %arg4[%get3A_30, %get3A_31, %get3A_32] : memref<8x128x20xf32, #tpu.memory_space<vmem>>, vector<1x128x20xf32>
    %get3A_34 = vector.shape_cast %get3A_33 : vector<1x128x20xf32> to vector<128x20xf32>
    %dot_general3A_35 = arith.constant dense<0.000000e+00> : vector<1024x20xf32>
    %dot_general3A_36 = tpu.matmul %tanh3A, %get3A_34, %dot_general3A_35 {dimension_numbers = #tpu.dot_dimension_numbers<[1], [0], [0], [1], [0, 0, 1, 1], [], []>, transpose_lhs_hint = false} : vector<1024x128xf32>, vector<128x20xf32>, vector<1024x20xf32> -> vector<1024x20xf32>
    %get3A_37 = arith.constant 0 : index
    %get3A_38 = arith.constant 2 : index
    %get3A_39 = vector.load %arg3[%get3A_37, %get3A_38] : memref<1024x8xf32, #tpu.memory_space<vmem>>, vector<1024x1xf32>
    %mul3A_40 = vector.broadcast %get3A_39 : vector<1024x1xf32> to vector<1024x20xf32>
    %mul3A_41 = arith.mulf %mul3A_40, %dot_general3A_36 : vector<1024x20xf32>
    %add3A_42 = arith.addf %add3A_29, %mul3A_41 : vector<1024x20xf32>
    %get3A_43 = arith.constant 3 : index
    %get3A_44 = arith.constant 0 : index
    %get3A_45 = arith.constant 0 : index
    %get3A_46 = vector.load %arg4[%get3A_43, %get3A_44, %get3A_45] : memref<8x128x20xf32, #tpu.memory_space<vmem>>, vector<1x128x20xf32>
    %get3A_47 = vector.shape_cast %get3A_46 : vector<1x128x20xf32> to vector<128x20xf32>
    %dot_general3A_48 = arith.constant dense<0.000000e+00> : vector<1024x20xf32>
    %dot_general3A_49 = tpu.matmul %tanh3A, %get3A_47, %dot_general3A_48 {dimension_numbers = #tpu.dot_dimension_numbers<[1], [0], [0], [1], [0, 0, 1, 1], [], []>, transpose_lhs_hint = false} : vector<1024x128xf32>, vector<128x20xf32>, vector<1024x20xf32> -> vector<1024x20xf32>
    %get3A_50 = arith.constant 0 : index
    %get3A_51 = arith.constant 3 : index
    %get3A_52 = vector.load %arg3[%get3A_50, %get3A_51] : memref<1024x8xf32, #tpu.memory_space<vmem>>, vector<1024x1xf32>
    %mul3A_53 = vector.broadcast %get3A_52 : vector<1024x1xf32> to vector<1024x20xf32>
    %mul3A_54 = arith.mulf %mul3A_53, %dot_general3A_49 : vector<1024x20xf32>
    %add3A_55 = arith.addf %add3A_42, %mul3A_54 : vector<1024x20xf32>
    %get3A_56 = arith.constant 4 : index
    %get3A_57 = arith.constant 0 : index
    %get3A_58 = arith.constant 0 : index
    %get3A_59 = vector.load %arg4[%get3A_56, %get3A_57, %get3A_58] : memref<8x128x20xf32, #tpu.memory_space<vmem>>, vector<1x128x20xf32>
    %get3A_60 = vector.shape_cast %get3A_59 : vector<1x128x20xf32> to vector<128x20xf32>
    %dot_general3A_61 = arith.constant dense<0.000000e+00> : vector<1024x20xf32>
    %dot_general3A_62 = tpu.matmul %tanh3A, %get3A_60, %dot_general3A_61 {dimension_numbers = #tpu.dot_dimension_numbers<[1], [0], [0], [1], [0, 0, 1, 1], [], []>, transpose_lhs_hint = false} : vector<1024x128xf32>, vector<128x20xf32>, vector<1024x20xf32> -> vector<1024x20xf32>
    %get3A_63 = arith.constant 0 : index
    %get3A_64 = arith.constant 4 : index
    %get3A_65 = vector.load %arg3[%get3A_63, %get3A_64] : memref<1024x8xf32, #tpu.memory_space<vmem>>, vector<1024x1xf32>
    %mul3A_66 = vector.broadcast %get3A_65 : vector<1024x1xf32> to vector<1024x20xf32>
    %mul3A_67 = arith.mulf %mul3A_66, %dot_general3A_62 : vector<1024x20xf32>
    %add3A_68 = arith.addf %add3A_55, %mul3A_67 : vector<1024x20xf32>
    %get3A_69 = arith.constant 5 : index
    %get3A_70 = arith.constant 0 : index
    %get3A_71 = arith.constant 0 : index
    %get3A_72 = vector.load %arg4[%get3A_69, %get3A_70, %get3A_71] : memref<8x128x20xf32, #tpu.memory_space<vmem>>, vector<1x128x20xf32>
    %get3A_73 = vector.shape_cast %get3A_72 : vector<1x128x20xf32> to vector<128x20xf32>
    %dot_general3A_74 = arith.constant dense<0.000000e+00> : vector<1024x20xf32>
    %dot_general3A_75 = tpu.matmul %tanh3A, %get3A_73, %dot_general3A_74 {dimension_numbers = #tpu.dot_dimension_numbers<[1], [0], [0], [1], [0, 0, 1, 1], [], []>, transpose_lhs_hint = false} : vector<1024x128xf32>, vector<128x20xf32>, vector<1024x20xf32> -> vector<1024x20xf32>
    %get3A_76 = arith.constant 0 : index
    %get3A_77 = arith.constant 5 : index
    %get3A_78 = vector.load %arg3[%get3A_76, %get3A_77] : memref<1024x8xf32, #tpu.memory_space<vmem>>, vector<1024x1xf32>
    %mul3A_79 = vector.broadcast %get3A_78 : vector<1024x1xf32> to vector<1024x20xf32>
    %mul3A_80 = arith.mulf %mul3A_79, %dot_general3A_75 : vector<1024x20xf32>
    %add3A_81 = arith.addf %add3A_68, %mul3A_80 : vector<1024x20xf32>
    %get3A_82 = arith.constant 6 : index
    %get3A_83 = arith.constant 0 : index
    %get3A_84 = arith.constant 0 : index
    %get3A_85 = vector.load %arg4[%get3A_82, %get3A_83, %get3A_84] : memref<8x128x20xf32, #tpu.memory_space<vmem>>, vector<1x128x20xf32>
    %get3A_86 = vector.shape_cast %get3A_85 : vector<1x128x20xf32> to vector<128x20xf32>
    %dot_general3A_87 = arith.constant dense<0.000000e+00> : vector<1024x20xf32>
    %dot_general3A_88 = tpu.matmul %tanh3A, %get3A_86, %dot_general3A_87 {dimension_numbers = #tpu.dot_dimension_numbers<[1], [0], [0], [1], [0, 0, 1, 1], [], []>, transpose_lhs_hint = false} : vector<1024x128xf32>, vector<128x20xf32>, vector<1024x20xf32> -> vector<1024x20xf32>
    %get3A_89 = arith.constant 0 : index
    %get3A_90 = arith.constant 6 : index
    %get3A_91 = vector.load %arg3[%get3A_89, %get3A_90] : memref<1024x8xf32, #tpu.memory_space<vmem>>, vector<1024x1xf32>
    %mul3A_92 = vector.broadcast %get3A_91 : vector<1024x1xf32> to vector<1024x20xf32>
    %mul3A_93 = arith.mulf %mul3A_92, %dot_general3A_88 : vector<1024x20xf32>
    %add3A_94 = arith.addf %add3A_81, %mul3A_93 : vector<1024x20xf32>
    %get3A_95 = arith.constant 7 : index
    %get3A_96 = arith.constant 0 : index
    %get3A_97 = arith.constant 0 : index
    %get3A_98 = vector.load %arg4[%get3A_95, %get3A_96, %get3A_97] : memref<8x128x20xf32, #tpu.memory_space<vmem>>, vector<1x128x20xf32>
    %get3A_99 = vector.shape_cast %get3A_98 : vector<1x128x20xf32> to vector<128x20xf32>
    %dot_general3A_100 = arith.constant dense<0.000000e+00> : vector<1024x20xf32>
    %dot_general3A_101 = tpu.matmul %tanh3A, %get3A_99, %dot_general3A_100 {dimension_numbers = #tpu.dot_dimension_numbers<[1], [0], [0], [1], [0, 0, 1, 1], [], []>, transpose_lhs_hint = false} : vector<1024x128xf32>, vector<128x20xf32>, vector<1024x20xf32> -> vector<1024x20xf32>
    %get3A_102 = arith.constant 0 : index
    %get3A_103 = arith.constant 7 : index
    %get3A_104 = vector.load %arg3[%get3A_102, %get3A_103] : memref<1024x8xf32, #tpu.memory_space<vmem>>, vector<1024x1xf32>
    %mul3A_105 = vector.broadcast %get3A_104 : vector<1024x1xf32> to vector<1024x20xf32>
    %mul3A_106 = arith.mulf %mul3A_105, %dot_general3A_101 : vector<1024x20xf32>
    %add3A_107 = arith.addf %add3A_94, %mul3A_106 : vector<1024x20xf32>
    %get3A_108 = arith.constant 0 : index
    %get3A_109 = arith.constant 0 : index
    %get3A_110 = vector.load %arg5[%get3A_108, %get3A_109] : memref<1x20xf32, #tpu.memory_space<vmem>>, vector<1x20xf32>
    %add3A_111 = vector.broadcast %get3A_110 : vector<1x20xf32> to vector<1024x20xf32>
    %add3A_112 = arith.addf %add3A_107, %add3A_111 : vector<1024x20xf32>
    %tanh3A_113 = math.tanh %add3A_112 : vector<1024x20xf32>
    %get3A_114 = arith.constant 0 : index
    %get3A_115 = arith.constant 0 : index
    %get3A_116 = vector.load %arg6[%get3A_114, %get3A_115] : memref<20x20xf32, #tpu.memory_space<vmem>>, vector<20x20xf32>
    %dot_general3A_117 = arith.constant dense<0.000000e+00> : vector<1024x20xf32>
    %dot_general3A_118 = tpu.matmul %tanh3A_113, %get3A_116, %dot_general3A_117 {dimension_numbers = #tpu.dot_dimension_numbers<[1], [0], [0], [1], [0, 0, 1, 1], [], []>, transpose_lhs_hint = false} : vector<1024x20xf32>, vector<20x20xf32>, vector<1024x20xf32> -> vector<1024x20xf32>
    %tanh3A_119 = math.tanh %dot_general3A_118 : vector<1024x20xf32>
    %get3A_120 = arith.constant 0 : index
    %get3A_121 = arith.constant 0 : index
    %get3A_122 = vector.load %arg7[%get3A_120, %get3A_121] : memref<20x20xf32, #tpu.memory_space<vmem>>, vector<20x20xf32>
    %dot_general3A_123 = arith.constant dense<0.000000e+00> : vector<1024x20xf32>
    %dot_general3A_124 = tpu.matmul %tanh3A_119, %get3A_122, %dot_general3A_123 {dimension_numbers = #tpu.dot_dimension_numbers<[1], [0], [0], [1], [0, 0, 1, 1], [], []>, transpose_lhs_hint = false} : vector<1024x20xf32>, vector<20x20xf32>, vector<1024x20xf32> -> vector<1024x20xf32>
    %tanh3A_125 = math.tanh %dot_general3A_124 : vector<1024x20xf32>
    %get3A_126 = arith.constant 0 : index
    %get3A_127 = arith.constant 0 : index
    %get3A_128 = vector.load %arg8[%get3A_126, %get3A_127] : memref<20x1xf32, #tpu.memory_space<vmem>>, vector<20x1xf32>
    %dot_general3A_129 = arith.constant dense<0.000000e+00> : vector<1024x1xf32>
    %dot_general3A_130 = tpu.matmul %tanh3A_125, %get3A_128, %dot_general3A_129 {dimension_numbers = #tpu.dot_dimension_numbers<[1], [0], [0], [1], [0, 0, 1, 1], [], []>, transpose_lhs_hint = false} : vector<1024x20xf32>, vector<20x1xf32>, vector<1024x1xf32> -> vector<1024x1xf32>
    %logistic3A = arith.negf %dot_general3A_130 : vector<1024x1xf32>
    %logistic3A_131 = math.exp %logistic3A : vector<1024x1xf32>
    %logistic3A_132 = arith.constant 1.000000e+00 : f32
    %logistic3A_133 = vector.broadcast %logistic3A_132 : f32 to vector<1024x1xf32>
    %logistic3A_134 = arith.addf %logistic3A_133, %logistic3A_131 : vector<1024x1xf32>
    %logistic3A_135 = arith.divf %logistic3A_133, %logistic3A_134 : vector<1024x1xf32>
    %swap3A = arith.constant 0 : index
    %swap3A_136 = arith.constant 0 : index
    %swap3A_137 = vector.load %arg9[%swap3A, %swap3A_136] : memref<1024x1xf32, #tpu.memory_space<vmem>>, vector<1024x1xf32>
    tpu.vector_store %arg9[%swap3A, %swap3A_136], %logistic3A_135 {strides = array<i32>} : memref<1024x1xf32, #tpu.memory_space<vmem>>, vector<1024x1xf32>,
    return
  }
  func.func @transform_0(%arg0: i32) -> (i32, i32) {
    %c0_i32 = arith.constant 0 : i32
    %c0_i32_0 = arith.constant 0 : i32
    return %arg0, %c0_i32 : i32, i32
  }
  func.func @transform_1(%arg0: i32) -> (i32, i32) {
    %c0_i32 = arith.constant 0 : i32
    %c0_i32_0 = arith.constant 0 : i32
    return %arg0, %c0_i32 : i32, i32
  }
  func.func @transform_2(%arg0: i32) -> (i32, i32) {
    %c0_i32 = arith.constant 0 : i32
    %c0_i32_0 = arith.constant 0 : i32
    return %arg0, %c0_i32 : i32, i32
  }
  func.func @transform_3(%arg0: i32) -> (i32, i32, i32) {
    %c0_i32 = arith.constant 0 : i32
    %c0_i32_0 = arith.constant 0 : i32
    %c0_i32_1 = arith.constant 0 : i32
    %c0_i32_2 = arith.constant 0 : i32
    return %c0_i32, %c0_i32_0, %c0_i32_1 : i32, i32, i32
  }
  func.func @transform_4(%arg0: i32) -> (i32, i32) {
    %c0_i32 = arith.constant 0 : i32
    %c0_i32_0 = arith.constant 0 : i32
    %c0_i32_1 = arith.constant 0 : i32
    return %c0_i32, %c0_i32_0 : i32, i32
  }
  func.func @transform_5(%arg0: i32) -> (i32, i32) {
    %c0_i32 = arith.constant 0 : i32
    %c0_i32_0 = arith.constant 0 : i32
    %c0_i32_1 = arith.constant 0 : i32
    return %c0_i32, %c0_i32_0 : i32, i32
  }
  func.func @transform_6(%arg0: i32) -> (i32, i32) {
    %c0_i32 = arith.constant 0 : i32
    %c0_i32_0 = arith.constant 0 : i32
    %c0_i32_1 = arith.constant 0 : i32
    return %c0_i32, %c0_i32_0 : i32, i32
  }
  func.func @transform_7(%arg0: i32) -> (i32, i32) {
    %c0_i32 = arith.constant 0 : i32
    %c0_i32_0 = arith.constant 0 : i32
    %c0_i32_1 = arith.constant 0 : i32
    return %c0_i32, %c0_i32_0 : i32, i32
  }
  func.func @transform_8(%arg0: i32) -> (i32, i32) {
    %c0_i32 = arith.constant 0 : i32
    %c0_i32_0 = arith.constant 0 : i32
    return %arg0, %c0_i32 : i32, i32
  }
}

</mosaic_0001>

<sc_bundles>
// kernel: kernel.10.cloned.1.call-start
scs
__scs_entry_jumppad:
0x0: {  	(pc) =	sbr.rel $0x88, $3  }
0x1: {  	(tag) =	ssettag $0x0;
	lr =	simm.s32 $0x1  }
0x2: {  	[smem:$0x3F94] =	sst lr;
	_ =	strace $0xD0000000  }
0x3: {  	_ = 	snop  }
0x4: {  	_ = 	snop  }
0x5: {  	_ = 	snop  }
0x6: {  	_ = 	snop  }
0x7: {  	_ = 	snop  }
__scs_overlays_trampoline_lowered:
0x8: {  	[smem:$0x3FA3] =	sst s0  }
0x9: {  	[smem:$0x3FA4] =	sst s1  }
0xa: {  	[smem:$0x3FA5] =	sst s2  }
0xb: {  	[smem:$0x3FA6] =	sst s3  }
0xc: {  	[smem:$0x3FA7] =	sst s4  }
0xd: {  	[smem:$0x3FA8] =	sst s5  }
0xe: {  	[smem:$0x3FA9] =	sst s6  }
0xf: {  	[smem:$0x3FAA] =	sst s7  }
0x10: {  	[smem:$0x3FAB] =	sst s8  }
0x11: {  	[smem:$0x3FAC] =	sst s9;
	s0 =	simm.s32 @!p0 $0x0  }
0x12: {  	s1 =	sld [smem:$0x3F92];
	s0 =	simm.s32 @p0 $0x1  }
0x13: {  	[smem:$0x3FAD] =	sst s0;
	s0 =	simm.s32 @!p1 $0x0  }
0x14: {  	s2 =	sld [smem:$0x3F91];
	s0 =	simm.s32 @p1 $0x1  }
0x15: {  	[smem:$0x3FAE] =	sst s0;
	s0 =	simm.s32 @!p2 $0x0  }
0x16: {  	s3 =	sld [smem:$0x3FDB];
	s0 =	simm.s32 @p2 $0x1  }
0x17: {  	s4 =	simm.s32 $0x1BF5;
	[smem:$0x3FB0] =	sst s0  }
0x18: {  	s0 =	sld [smem:$0x3F93];
	_ =	swait.ge [sflag:s4], $0x0  }
0x19: {  	s7 =	sld [smem:$0x3F94]  }
0x1a: {  	s8 =	sadd.s32 $0xFFFFE003, lr  }
0x1b: {  	s9 =	sadd.s32 $0xFFFFFEF7, lr;
	s5 =	simm.s32 $0xFFFFFFFF;
	p2 =	slt.u32 s8, $0xFFFFF086  }
0x1c: {  	p1 =	slt.u32 s9, $0xF7A;
	s5 =	simm.s32 @!p2 $0x0  }
0x1d: {  	s5 =	simm.s32 @p1 $0x1;
	p0 =	seq.s32 s7, s2  }
0x1e: {  	s7 =	smul.u32 @!p0 $0xF7A, s2;
	p2 =	seq.s32 @!p0 s5, $0x0  }
0x1f: {  	s9 =	smul.u32 $0xF7A, s1;
	s8 =	simm.s32 @!p0 $0x1BF5;
	p2 =	por !p2, p0  }
0x20: {  	[sflag:s8] =	ssyncset.s32 @!p0 $0xFFFFF086;
	s6 =	sadd.s32 @!p0 s3, s7;
	s7 =	simm.s32 @!p0 $0x108  }
0x21: {  	s3 =	sadd.s32 s3, s9;
	s6 =	sadd.s32 @!p0 $0x88, s6;
	s7 =	simm.s32 @p2 $0x1082  }
0x22: {  	[simem:s7], [sflag:s8] =	dma.local @!p0 [hbm:s6], $0xF7A  }
0x23: {  	s9 =	sor.u32 $0xD0000000, s2;
	s6 =	simm.s32 $0x108;
	_ =	swait.ge @!p0 [sflag:s8], $0x0  }
0x24: {  	s3 =	sadd.s32 $0x88, s3;
	s6 =	simm.s32 @!p1 $0x1082;
	[sflag:s4] =	ssyncset.s32 $0xFFFFF086  }
0x25: {  	[simem:s6], [sflag:s4] =	dma.local [hbm:s3], $0xF7A  }
0x26: {  	[smem:$0x3F94] =	sst s1;
	(tag) =	ssettag s2;
	_ =	strace s9  }
0x27: {  	s1 =	sld [smem:$0x3FA4]  }
0x28: {  	s2 =	sld [smem:$0x3FA5]  }
0x29: {  	s4 =	sld [smem:$0x3FA7]  }
0x2a: {  	p0 =	seq.s32 s5, $0x0;
	s5 =	sld [smem:$0x3FA8]  }
0x2b: {  	s6 =	sld [smem:$0x3FA9]  }
0x2c: {  	s7 =	sld [smem:$0x3FAA]  }
0x2d: {  	s3 =	simm.s32 $0x108;
	s8 =	sld [smem:$0x3FAB]  }
0x2e: {  	s3 =	simm.s32 @!p0 $0x1082;
	s9 =	sld [smem:$0x3FAC]  }
0x2f: {  	lr =	sadd.s32 s0, s3;
	s0 =	sld [smem:$0x3FA3]  }
0x30: {  	s3 =	sld [smem:$0x3FA6]  }
0x31: {  	[smem:$0x3FAF] =	sst s10  }
0x32: {  	s10 =	sld [smem:$0x3FAD];
	_ =	sdelay $0x3  }
0x33: {  	p0 =	seq.s32 s10, $0x1;
	s10 =	sld [smem:$0x3FAF];
	_ =	sdelay $0x3  }
0x34: {  	[smem:$0x3FAF] =	sst s10  }
0x35: {  	s10 =	sld [smem:$0x3FAE];
	_ =	sdelay $0x3  }
0x36: {  	p1 =	seq.s32 s10, $0x1;
	s10 =	sld [smem:$0x3FAF];
	_ =	sdelay $0x3  }
0x37: {  	[smem:$0x3FAF] =	sst s10  }
0x38: {  	s10 =	sld [smem:$0x3FB0]  }
0x39: {  	_ = 	snop;
	(pc) =	sbr.ind lr, $3  }
0x3a: {  	_ = 	snop  }
0x3b: {  	_ = 	snop  }
0x3c: {  	p2 =	seq.s32 s10, $0x1;
	s10 =	sld [smem:$0x3FAF]  }
0x3d: {  	_ =	shalt  }
0x3e: {  	_ =	shalt  }
0x3f: {  	_ =	shalt  }
0x40: {  	_ =	shalt  }
0x41: {  	_ =	shalt  }
0x42: {  	_ =	shalt  }
0x43: {  	_ =	shalt  }
0x44: {  	_ =	shalt  }
0x45: {  	_ =	shalt  }
0x46: {  	_ =	shalt  }
0x47: {  	_ =	shalt  }
0x48: {  	_ =	shalt  }
0x49: {  	_ =	shalt  }
0x4a: {  	_ =	shalt  }
0x4b: {  	_ =	shalt  }
0x4c: {  	_ =	shalt  }
0x4d: {  	_ =	shalt  }
0x4e: {  	_ =	shalt  }
0x4f: {  	_ =	shalt  }
0x50: {  	_ =	shalt  }
0x51: {  	_ =	shalt  }
0x52: {  	_ =	shalt  }
0x53: {  	_ =	shalt  }
0x54: {  	_ =	shalt  }
0x55: {  	_ =	shalt  }
0x56: {  	_ =	shalt  }
0x57: {  	_ =	shalt  }
0x58: {  	_ =	shalt  }
0x59: {  	_ =	shalt  }
0x5a: {  	_ =	shalt  }
0x5b: {  	_ =	shalt  }
0x5c: {  	_ =	shalt  }
0x5d: {  	_ =	shalt  }
0x5e: {  	_ =	shalt  }
0x5f: {  	_ =	shalt  }
0x60: {  	_ =	shalt  }
0x61: {  	_ =	shalt  }
0x62: {  	_ =	shalt  }
0x63: {  	_ =	shalt  }
0x64: {  	_ =	shalt  }
0x65: {  	_ =	shalt  }
0x66: {  	_ =	shalt  }
0x67: {  	_ =	shalt  }
0x68: {  	_ =	shalt  }
0x69: {  	_ =	shalt  }
0x6a: {  	_ =	shalt  }
0x6b: {  	_ =	shalt  }
0x6c: {  	_ =	shalt  }
0x6d: {  	_ =	shalt  }
0x6e: {  	_ =	shalt  }
0x6f: {  	_ =	shalt  }
0x70: {  	_ =	shalt  }
0x71: {  	_ =	shalt  }
0x72: {  	_ =	shalt  }
0x73: {  	_ =	shalt  }
0x74: {  	_ =	shalt  }
0x75: {  	_ =	shalt  }
0x76: {  	_ =	shalt  }
0x77: {  	_ =	shalt  }
0x78: {  	_ =	shalt  }
0x79: {  	_ =	shalt  }
0x7a: {  	_ =	shalt  }
0x7b: {  	_ =	shalt  }
0x7c: {  	_ =	shalt  }
0x7d: {  	_ =	shalt  }
0x7e: {  	_ =	shalt  }
0x7f: {  	_ =	shalt  }
0x80: {  	_ =	shalt  }
0x81: {  	_ =	shalt  }
0x82: {  	_ =	shalt  }
0x83: {  	_ =	shalt  }
0x84: {  	_ =	shalt  }
0x85: {  	_ =	shalt  }
0x86: {  	_ =	shalt  }
0x87: {  	_ =	shalt  }
.Lfunc_end0:
.L_simem_size_0:
called_computation.1_lowered:
.L_overlay_start_0:
0x88: {  	s2 =	sld [smem:$0x3FD9]  }
0x89: {  	s3 =	sld [smem:$0x3FFE];
	_ =	sdelay $0x1  }
0x8a: {  	s1 =	srdreg.scid  }
0x8b: {  	s0 =	sand.u32 $0x1, s1  }
0x8c: {  	s16 =	sshll.u32 s0, $0xA;
	s2 =	sadd.s32 s3, s2  }
0x8d: {  	s2 =	sadd.s32 s2, s16  }
0x8e: {  	[smem:$0x3FBB] =	sst s2  }
0x8f: {  	_ = 	snop  }
0x90: {  	(tm) =	ssettm $0x1  }
0x91: {  	s17 =	sld [smem:$0x3FFB];
	_ =	sdelay $0x3  }
0x92: {  	_ =	strace s17  }
0x93: {  	s2 =	sld [smem:$0x3FFC];
	_ =	sdelay $0x3  }
0x94: {  	_ =	strace s2  }
0x95: {  	s2 =	sld [smem:$0x3FFD];
	_ =	sdelay $0x3  }
0x96: {  	_ =	strace s2  }
0x97: {  	_ =	strace $0x8FFFFFFF  }
0x98: {  	s18 =	sld [smem:$0x3FDB];
	_ =	sdelay $0x1  }
0x99: {  	s19 =	simm.s32 $_scs_section_size  }
0x9a: {  	s4 =	simm.s32 $_size__tile_overlayer_lowered;
	s5 =	simm.s32 $_tile_overlayer_lowered  }
0x9b: {  	s22 =	simm.s32 $0x1BFF;
	s21 =	sshll.u32 s5, $0x1;
	s2 =	sadd.s32 s19, s18  }
0x9c: {  	s6 =	simm.s32 $0x0;
	s20 =	sshll.u32 s4, $0x1;
	s4 =	sadd.s32 s21, s2  }
0x9d: {  	[timem:s6], [sflag:s22] =	dma.local [hbm:s4], s20  }
0x9e: {  	_ =	swait.ge [sflag:s22], s20  }
0x9f: {  	s3 =	ssub.s32 $0x0, s20;
	[sflag:s22] =	ssyncset.done $0x0  }
0xa0: {  	[sflag:s22] =	ssyncadd.s32 s3;
	_ =	sdelay $0x1  }
0xa1: {  	s23 =	simm.s32 $0x1B8B  }
0xa2: {  	_ =	swait.ge [sflag:s23], $0x1  }
0xa3: {  	[sflag:s23] =	ssyncset.done $0x0  }
0xa4: {  	s25 =	simm.s32 $0x1B8E;
	s24 =	sld [smem:$0x3FFE];
	[sflag:s23] =	ssyncadd.s32 $0xFFFFFFFF  }
0xa5: {  	s26 =	simm.s32 $execute0_lowered;
	[smem:$0x3FD2] =	sst s25  }
0xa6: {  	s4 =	sshll.u32 s26, $0x1;
	_ =	strace $0x80000049;
	[dreg:$0x1] =	wrdreg $0xFFFFFFFF  }
0xa7: {  	s28 =	simm.s32 $_size_execute0_lowered;
	s2 =	sadd.s32 s2, s4;
	[dreg:$0x0] =	wrdreg $0x0  }
0xa8: {  	s4 =	sshll.u32 s28, $0x1;
	[dreg:$0x2] =	wrdreg s2  }
0xa9: {  	[dreg:$0x3] =	wrdreg s4  }
0xaa: {  	[dreg:$0x4] =	wrdreg $0xC0  }
0xab: {  	_ =	task [dreg:s6], $0x5FFFF  }
0xac: {  	[dreg:$0x1] =	wrdreg $0xFFFFFFFF  }
0xad: {  	[dreg:$0x0] =	wrdreg $0x60  }
0xae: {  	[dreg:$0x2] =	wrdreg s24  }
0xaf: {  	[dreg:$0x3] =	wrdreg $0xB0000  }
0xb0: {  	[dreg:$0x4] =	wrdreg $0x9  }
0xb1: {  	_ =	task.clear_ibuf [dreg:s6], $0x5FFFF;
	_ =	strace $0x90000049  }
0xb2: {  	s29 =	simm.s32 $0x9;
	_ =	strace $0x8000004B  }
0xb3: {  	_ =	swait.ge [sflag:s29], $0x1  }
0xb4: {  	[sflag:s29] =	ssyncadd.s32 $0xFFFFFFFF  }
0xb5: {  	_ =	strace $0x9000004B  }
0xb6: {  	_ =	sfence  }
0xb7: {  	s30 =	sld [smem:$0x0];
	_ =	sdelay $0x2  }
0xb8: {  	s31 =	sshll.u32 s1, $0xD;
	s1 =	sshrl.u32 s1, $0x2  }
0xb9: {  	s3 =	sand.u32 $0x4000, s31;
	s1 =	sadd.s32 s1, s30  }
0xba: {  	s0 =	sor.u32 s3, s0;
	s1 =	sshll.u32 s1, $0x11  }
0xbb: {  	s0 =	sor.u32 s1, s0  }
0xbc: {  	s0 =	sadd.s32 $0x8F2B, s0  }
0xbd: {  	[sflag:s0] =	ssyncadd.remote.s32 $0x1  }
0xbe: {  	_ =	sfence.sel $0xFFFF  }
0xbf: {  	[dreg:$0x0] =	wrdreg $0xFFFFFFFF;
	(pc) =	sbr.abs _section_cstart, $3  }
0xc0: {  	[dreg:$0x1] =	wrdreg $0xFFFFFFFF  }
0xc1: {  	_ =	task.clear_ibuf [dreg:s6], $0x2FFFF;
	_ =	strace $0x9FFFFFFF  }
0xc2: {  	(tm) =	ssettm $0x7FFFFFFF  }
0xc3: {  	_ =	shalt  }
tec
execute0_lowered:
.L_overlay_start_1:
0x0: {  	(tag) =	ssettag $0x1  }
0x1: {  	s6 =	rddreg [dreg:$0x0]  }
0x2: {  	s1 =	rddreg [dreg:$0x1];
	s2 =	srdreg.scid;
	s3 =	simm.s32 $0x0  }
0x3: {  	s0 =	stileid.u32;
	s17 =	simm.s32 $0x3;
	s18 =	simm.s32 $0x1800  }
0x4: {  	s19 =	simm.s32 $0x80;
	s20 =	simm.s32 $0x7000;
	s21 =	simm.s32 $0x1  }
0x5: {  	s22 =	simm.s32 $0x2;
	s24 =	simm.s32 $0x2F00;
	s25 =	simm.s32 $0x2F80  }
0x6: {  	s28 =	simm.s32 $0x2B00;
	s29 =	simm.s32 $0x2B80;
	s5 =	sand.u32 $0x1, s2  }
0x7: {  	[smem:$0x7FF] =	sst s3;
	s8 =	smul.u32 $0x14000, s0;
	s4 =	sadd.s32 $0x17C00, s6  }
0x8: {  	s12 =	sadd.s32 $0x1C00, s6;
	s26 =	smul.u32 $0x50000, s0;
	s13 =	sadd.s32 $0xCC00, s6  }
0x9: {  	s7 =	smul.u32 $0x140000, s5;
	_ =	strace $0x8000004A;
	s9 =	sshll.u32 s5, $0x4  }
0xa: {  	s10 =	ssub.s32 $0x2, s5;
	s9 =	sor.u32 s0, s9;
	s30 =	sshrl.u32 s26, $0x2  }
0xb: {  	s31 =	sshrl.u32 s10, $0x1;
	s26 =	simm.s32 $0x1380;
	s7 =	sadd.s32 s8, s7  }
0xc: {  	s5 =	sadd.s32 s30, s1;
	s9 =	smul.u32 $0x2C00, s9;
	s15 =	ssub.s32 s10, s31  }
0xd: {  	s7 =	sshrl.u32 s7, $0x3;
	s8 =	sadd.s32 $0xC000, s5;
	s15 =	smax.u32 s15, $0x1  }
0xe: {  	s14 =	sadd.s32 s7, s6;
	s6 =	sadd.s32 $0x4000, s5;
	s11 =	sshrl.u32 s9, $0x3  }
0xf: {  	s7 =	sadd.s32 $0x8000, s5;
	s9 =	sadd.s32 $0x10000, s5;
	s10 =	sadd.s32 s12, s11  }
0x10: {  	s16 =	sadd.s32 $0x300, s11;
	s11 =	sadd.s32 s13, s11;
	s14 =	sadd.s32 $0xC7C00, s14  }
0x11: {  	v0 =	vimm.f32 $0.0e+00;
	s12 =	sadd.s32 s12, s16;
	s13 =	sadd.s32 s13, s16;
	s16 =	simm.s32 $0x3000  }
.LBB2_1:
0x12: {  	s30 =	simm.s32 $0x0;
	s31 =	simm.s32 $0x200  }
.LBB2_2:
0x13: {  	p0 =	sne.s32 s31, $0xFE00;
	[tilespmem:s30+$0x3070] =	vst v0  }
0x14: {  	[tilespmem:s30+$0x3000] =	vst v0  }
0x15: {  	[tilespmem:s30+$0x3010] =	vst v0  }
.Ltmp0:
0x16: {  	[tilespmem:s30+$0x3020] =	vst v0;
	(pc) =	sbr.rel @p0 .LBB2_2-.Ltmp0, $4  }
0x17: {  	[tilespmem:s30+$0x3030] =	vst v0  }
0x18: {  	[tilespmem:s30+$0x3040] =	vst v0  }
0x19: {  	[tilespmem:s30+$0x3050] =	vst v0  }
0x1a: {  	[tilespmem:s30+$0x3060] =	vst v0;
	s30 =	sshra.s32 s31, $0x2;
	s31 =	sadd.s32 $0x200, s31  }
0x1b: {  	[tilespmem:s30+$0x3070] =	vst v0  }
0x1c: {  	[tilespmem:s30+$0x3000] =	vst v0  }
0x1d: {  	[tilespmem:s30+$0x3010] =	vst v0  }
0x1e: {  	[tilespmem:s30+$0x3020] =	vst v0  }
0x1f: {  	[tilespmem:s30+$0x3030] =	vst v0  }
0x20: {  	[tilespmem:s30+$0x3040] =	vst v0  }
0x21: {  	[tilespmem:s30+$0x3050] =	vst v0  }
0x22: {  	[tilespmem:s30+$0x3060] =	vst v0  }
0x23: {  	[spmem:s5] =	stream.linear.scatter [tilespmem:s16], [sflag:$0x3], $0x4000, $0x38;
	[tilespmem:$0x1F000] =	vst v63  }
0x24: {  	_ =	swait.ge [sflag:s17], $0x4000  }
0x25: {  	[sflag:s17] =	ssyncset.done $0x0  }
0x26: {  	[sflag:s17] =	ssyncadd.s32 $0xFFFFC000  }
0x27: {  	[spmem:s6] =	stream.linear.scatter [tilespmem:s16], [sflag:$0x3], $0x4000, $0x38;
	[tilespmem:$0x1F000] =	vst v63  }
0x28: {  	_ =	swait.ge [sflag:s17], $0x4000  }
0x29: {  	[sflag:s17] =	ssyncset.done $0x0  }
0x2a: {  	[sflag:s17] =	ssyncadd.s32 $0xFFFFC000  }
0x2b: {  	[spmem:s7] =	stream.linear.scatter [tilespmem:s16], [sflag:$0x3], $0x4000, $0x38;
	[tilespmem:$0x1F000] =	vst v63  }
0x2c: {  	_ =	swait.ge [sflag:s17], $0x4000  }
0x2d: {  	[sflag:s17] =	ssyncset.done $0x0  }
0x2e: {  	[sflag:s17] =	ssyncadd.s32 $0xFFFFC000  }
0x2f: {  	[spmem:s8] =	stream.linear.scatter [tilespmem:s16], [sflag:$0x3], $0x4000, $0x38;
	[tilespmem:$0x1F000] =	vst v63  }
0x30: {  	_ =	swait.ge [sflag:s17], $0x4000  }
0x31: {  	[sflag:s17] =	ssyncset.done $0x0  }
0x32: {  	[sflag:s17] =	ssyncadd.s32 $0xFFFFC000  }
0x33: {  	[spmem:s9] =	stream.linear.scatter [tilespmem:s16], [sflag:$0x3], $0x4000, $0x38;
	[tilespmem:$0x1F000] =	vst v63  }
0x34: {  	_ =	swait.ge [sflag:s17], $0x4000  }
0x35: {  	[sflag:s17] =	ssyncset.done $0x0  }
0x36: {  	[sflag:s17] =	ssyncadd.s32 $0xFFFFC000  }
0x37: {  	s30 =	simm.s32 $0x0;
	[bflag:$0x0] =	sbarrier.arrive $0xFFFF  }
0x38: {  	[tilespmem:s30], [sflag:$0x3] =	stream.linear.gather [hbm4b:s10+s30], $0x1800, $0x38;
	[tilespmem:$0x1F000] =	vst v63  }
0x39: {  	_ =	swait.ge [sflag:s17], $0x1800  }
0x3a: {  	[sflag:s17] =	ssyncset.done $0x0  }
0x3b: {  	[sflag:s17] =	ssyncadd.s32 $0xFFFFE800  }
0x3c: {  	[tilespmem:s18], [sflag:$0x3] =	stream.linear.gather [hbm4b:s11+s30], $0x1800, $0x38;
	[tilespmem:$0x1F000] =	vst v63  }
0x3d: {  	_ =	swait.ge [sflag:s17], $0x1800  }
0x3e: {  	[sflag:s17] =	ssyncset.done $0x0  }
0x3f: {  	[sflag:s17] =	ssyncadd.s32 $0xFFFFE800  }
0x40: {  	[tilespmem:s16], [sflag:$0x1] =	stream.indirect.gather [hbm4b:s4+s19], $0x80, s30, s19, $0xb8;
	[tilespmem:$0x1F000] =	vst v63  }
0x41: {  	s30 =	simm.s32 $0x80  }
0x42: {  	[tilespmem:s20], [sflag:$0x2] =	stream.indirect.gather [hbm4b:s4+s19], $0x80, s30, s19, $0xb8;
	[tilespmem:$0x1F000] =	vst v63  }
0x43: {  	_ =	swait.ge [sflag:s21], $0x4000  }
0x44: {  	[sflag:s21] =	ssyncset.done $0x0  }
0x45: {  	s30 =	simm.s32 $0x1800;
	[sflag:s21] =	ssyncadd.s32 $0xFFFFC000  }
0x46: {  	[spmem:s1] =	stream.indirect.scatter.add.f32 [tilespmem:s16], [sflag:$0x3], $0x80, s30, s19, $0xb8;
	[tilespmem:$0x1F000] =	vst v63  }
0x47: {  	_ =	swait.ge [sflag:s17], $0x4000  }
0x48: {  	[sflag:s17] =	ssyncset.done $0x0  }
0x49: {  	s30 =	simm.s32 $0x100;
	[sflag:s17] =	ssyncadd.s32 $0xFFFFC000  }
0x4a: {  	[tilespmem:s16], [sflag:$0x1] =	stream.indirect.gather [hbm4b:s4+s19], $0x80, s30, s19, $0xb8;
	[tilespmem:$0x1F000] =	vst v63  }
0x4b: {  	_ =	swait.ge [sflag:s22], $0x4000  }
0x4c: {  	[sflag:s22] =	ssyncset.done $0x0  }
0x4d: {  	s30 =	simm.s32 $0x1880;
	[sflag:s22] =	ssyncadd.s32 $0xFFFFC000  }
0x4e: {  	[spmem:s1] =	stream.indirect.scatter.add.f32 [tilespmem:s20], [sflag:$0x3], $0x80, s30, s19, $0xb8;
	[tilespmem:$0x1F000] =	vst v63  }
0x4f: {  	_ =	swait.ge [sflag:s17], $0x4000  }
0x50: {  	s31 =	simm.s32 $0x800;
	s30 =	simm.s32 $0x100;
	[sflag:s17] =	ssyncset.done $0x0  }
.LBB2_4:
0x51: {  	s0 =	sadd.s32 $0x80, s30  }
0x52: {  	[sflag:s17] =	ssyncadd.s32 $0xFFFFC000;
	s2 =	smov.u32 s31;
	s23 =	sadd.s32 $0x400, s31  }
0x53: {  	[tilespmem:s20], [sflag:$0x2] =	stream.indirect.gather [hbm4b:s4+s19], $0x80, s0, s19, $0xb8;
	[tilespmem:$0x1F000] =	vst v63  }
0x54: {  	p0 =	sne.s32 s31, $0x5800;
	_ =	swait.ge [sflag:s21], $0x4000  }
0x55: {  	[sflag:s21] =	ssyncset.done $0x0  }
0x56: {  	s0 =	sadd.s32 $0x1800, s30;
	[sflag:s21] =	ssyncadd.s32 $0xFFFFC000  }
0x57: {  	[spmem:s1] =	stream.indirect.scatter.add.f32 [tilespmem:s16], [sflag:$0x3], $0x80, s0, s19, $0xb8;
	[tilespmem:$0x1F000] =	vst v63  }
0x58: {  	_ =	swait.ge [sflag:s17], $0x4000  }
0x59: {  	[sflag:s17] =	ssyncset.done $0x0  }
0x5a: {  	s0 =	sadd.s32 $0x100, s30;
	[sflag:s17] =	ssyncadd.s32 $0xFFFFC000  }
0x5b: {  	[tilespmem:s16], [sflag:$0x1] =	stream.indirect.gather [hbm4b:s4+s19], $0x80, s0, s19, $0xb8;
	[tilespmem:$0x1F000] =	vst v63  }
0x5c: {  	_ =	swait.ge [sflag:s22], $0x4000  }
.Ltmp1:
0x5d: {  	[sflag:s22] =	ssyncset.done $0x0;
	(pc) =	sbr.rel @p0 .LBB2_4-.Ltmp1, $4  }
0x5e: {  	s0 =	sadd.s32 $0x1880, s30;
	[sflag:s22] =	ssyncadd.s32 $0xFFFFC000  }
0x5f: {  	[spmem:s1] =	stream.indirect.scatter.add.f32 [tilespmem:s20], [sflag:$0x3], $0x80, s0, s19, $0xb8;
	[tilespmem:$0x1F000] =	vst v63  }
0x60: {  	_ =	swait.ge [sflag:s17], $0x4000  }
0x61: {  	s31 =	smov.u32 s23;
	s30 =	sshra.s32 s2, $0x2;
	[sflag:s17] =	ssyncset.done $0x0  }
0x62: {  	s0 =	sadd.s32 $0x80, s30;
	[sflag:s17] =	ssyncadd.s32 $0xFFFFC000  }
0x63: {  	[tilespmem:s20], [sflag:$0x2] =	stream.indirect.gather [hbm4b:s4+s19], $0x80, s0, s19, $0xb8;
	[tilespmem:$0x1F000] =	vst v63  }
0x64: {  	_ =	swait.ge [sflag:s21], $0x4000  }
0x65: {  	[sflag:s21] =	ssyncset.done $0x0  }
0x66: {  	s23 =	sadd.s32 $0x1800, s30;
	[sflag:s21] =	ssyncadd.s32 $0xFFFFC000  }
0x67: {  	[spmem:s1] =	stream.indirect.scatter.add.f32 [tilespmem:s16], [sflag:$0x3], $0x80, s23, s19, $0xb8;
	[tilespmem:$0x1F000] =	vst v63  }
0x68: {  	_ =	swait.ge [sflag:s17], $0x4000  }
0x69: {  	[sflag:s17] =	ssyncset.done $0x0  }
0x6a: {  	s2 =	sadd.s32 $0x100, s30;
	[sflag:s17] =	ssyncadd.s32 $0xFFFFC000  }
0x6b: {  	[tilespmem:s16], [sflag:$0x1] =	stream.indirect.gather [hbm4b:s4+s19], $0x80, s2, s19, $0xb8;
	[tilespmem:$0x1F000] =	vst v63  }
0x6c: {  	_ =	swait.ge [sflag:s22], $0x4000  }
0x6d: {  	[sflag:s22] =	ssyncset.done $0x0  }
0x6e: {  	s23 =	sadd.s32 $0x1880, s30;
	[sflag:s22] =	ssyncadd.s32 $0xFFFFC000  }
0x6f: {  	[spmem:s1] =	stream.indirect.scatter.add.f32 [tilespmem:s20], [sflag:$0x3], $0x80, s23, s19, $0xb8;
	[tilespmem:$0x1F000] =	vst v63  }
0x70: {  	_ =	swait.ge [sflag:s17], $0x4000  }
0x71: {  	[sflag:s17] =	ssyncset.done $0x0  }
0x72: {  	s2 =	simm.s32 $0x1780;
	[sflag:s17] =	ssyncadd.s32 $0xFFFFC000  }
0x73: {  	[tilespmem:s20], [sflag:$0x2] =	stream.indirect.gather [hbm4b:s4+s19], $0x80, s2, s19, $0xb8;
	[tilespmem:$0x1F000] =	vst v63  }
0x74: {  	_ =	swait.ge [sflag:s21], $0x4000  }
0x75: {  	[sflag:s21] =	ssyncset.done $0x0  }
0x76: {  	[sflag:s21] =	ssyncadd.s32 $0xFFFFC000  }
0x77: {  	[spmem:s1] =	stream.indirect.scatter.add.f32 [tilespmem:s16], [sflag:$0x3], $0x80, s24, s19, $0xb8;
	[tilespmem:$0x1F000] =	vst v63  }
0x78: {  	_ =	swait.ge [sflag:s17], $0x4000  }
0x79: {  	[sflag:s17] =	ssyncset.done $0x0  }
0x7a: {  	[sflag:s17] =	ssyncadd.s32 $0xFFFFC000  }
0x7b: {  	_ =	swait.ge [sflag:s22], $0x4000  }
0x7c: {  	[sflag:s22] =	ssyncset.done $0x0  }
0x7d: {  	[sflag:s22] =	ssyncadd.s32 $0xFFFFC000  }
0x7e: {  	[spmem:s1] =	stream.indirect.scatter.add.f32 [tilespmem:s20], [sflag:$0x3], $0x80, s25, s19, $0xb8;
	[tilespmem:$0x1F000] =	vst v63  }
0x7f: {  	_ =	swait.ge [sflag:s17], $0x4000  }
0x80: {  	[sflag:s17] =	ssyncset.done $0x0  }
0x81: {  	s23 =	simm.s32 $0x0;
	[sflag:s17] =	ssyncadd.s32 $0xFFFFC000  }
0x82: {  	[tilespmem:s23], [sflag:$0x3] =	stream.linear.gather [hbm4b:s12+s23], $0x1400, $0x38;
	[tilespmem:$0x1F000] =	vst v63  }
0x83: {  	_ =	swait.ge [sflag:s17], $0x1400  }
0x84: {  	[sflag:s17] =	ssyncset.done $0x0  }
0x85: {  	[sflag:s17] =	ssyncadd.s32 $0xFFFFEC00  }
0x86: {  	[tilespmem:s18], [sflag:$0x3] =	stream.linear.gather [hbm4b:s13+s23], $0x1400, $0x38;
	[tilespmem:$0x1F000] =	vst v63  }
0x87: {  	_ =	swait.ge [sflag:s17], $0x1400  }
0x88: {  	[sflag:s17] =	ssyncset.done $0x0  }
0x89: {  	[sflag:s17] =	ssyncadd.s32 $0xFFFFEC00  }
0x8a: {  	[tilespmem:s16], [sflag:$0x1] =	stream.indirect.gather [hbm4b:s4+s19], $0x80, s23, s19, $0xb8;
	[tilespmem:$0x1F000] =	vst v63  }
0x8b: {  	s2 =	simm.s32 $0x80  }
0x8c: {  	[tilespmem:s20], [sflag:$0x2] =	stream.indirect.gather [hbm4b:s4+s19], $0x80, s2, s19, $0xb8;
	[tilespmem:$0x1F000] =	vst v63  }
0x8d: {  	_ =	swait.ge [sflag:s21], $0x4000  }
0x8e: {  	[sflag:s21] =	ssyncset.done $0x0  }
0x8f: {  	s23 =	simm.s32 $0x1800;
	[sflag:s21] =	ssyncadd.s32 $0xFFFFC000  }
0x90: {  	[spmem:s1] =	stream.indirect.scatter.add.f32 [tilespmem:s16], [sflag:$0x3], $0x80, s23, s19, $0xb8;
	[tilespmem:$0x1F000] =	vst v63  }
0x91: {  	_ =	swait.ge [sflag:s17], $0x4000  }
0x92: {  	[sflag:s17] =	ssyncset.done $0x0  }
0x93: {  	s2 =	simm.s32 $0x100;
	[sflag:s17] =	ssyncadd.s32 $0xFFFFC000  }
0x94: {  	[tilespmem:s16], [sflag:$0x1] =	stream.indirect.gather [hbm4b:s4+s19], $0x80, s2, s19, $0xb8;
	[tilespmem:$0x1F000] =	vst v63  }
0x95: {  	_ =	swait.ge [sflag:s22], $0x4000  }
0x96: {  	[sflag:s22] =	ssyncset.done $0x0  }
0x97: {  	s23 =	simm.s32 $0x1880;
	[sflag:s22] =	ssyncadd.s32 $0xFFFFC000  }
0x98: {  	[spmem:s1] =	stream.indirect.scatter.add.f32 [tilespmem:s20], [sflag:$0x3], $0x80, s23, s19, $0xb8;
	[tilespmem:$0x1F000] =	vst v63  }
0x99: {  	_ =	swait.ge [sflag:s17], $0x4000  }
0x9a: {  	s31 =	simm.s32 $0x800;
	s30 =	simm.s32 $0x100;
	[sflag:s17] =	ssyncset.done $0x0  }
.LBB2_6:
0x9b: {  	s0 =	sadd.s32 $0x80, s30  }
0x9c: {  	[sflag:s17] =	ssyncadd.s32 $0xFFFFC000;
	s2 =	smov.u32 s31;
	s23 =	sadd.s32 $0x400, s31  }
0x9d: {  	[tilespmem:s20], [sflag:$0x2] =	stream.indirect.gather [hbm4b:s4+s19], $0x80, s0, s19, $0xb8;
	[tilespmem:$0x1F000] =	vst v63  }
0x9e: {  	p0 =	sne.s32 s31, $0x4800;
	_ =	swait.ge [sflag:s21], $0x4000  }
0x9f: {  	[sflag:s21] =	ssyncset.done $0x0  }
0xa0: {  	s0 =	sadd.s32 $0x1800, s30;
	[sflag:s21] =	ssyncadd.s32 $0xFFFFC000  }
0xa1: {  	[spmem:s1] =	stream.indirect.scatter.add.f32 [tilespmem:s16], [sflag:$0x3], $0x80, s0, s19, $0xb8;
	[tilespmem:$0x1F000] =	vst v63  }
0xa2: {  	_ =	swait.ge [sflag:s17], $0x4000  }
0xa3: {  	[sflag:s17] =	ssyncset.done $0x0  }
0xa4: {  	s0 =	sadd.s32 $0x100, s30;
	[sflag:s17] =	ssyncadd.s32 $0xFFFFC000  }
0xa5: {  	[tilespmem:s16], [sflag:$0x1] =	stream.indirect.gather [hbm4b:s4+s19], $0x80, s0, s19, $0xb8;
	[tilespmem:$0x1F000] =	vst v63  }
0xa6: {  	_ =	swait.ge [sflag:s22], $0x4000  }
.Ltmp2:
0xa7: {  	[sflag:s22] =	ssyncset.done $0x0;
	(pc) =	sbr.rel @p0 .LBB2_6-.Ltmp2, $4  }
0xa8: {  	s0 =	sadd.s32 $0x1880, s30;
	[sflag:s22] =	ssyncadd.s32 $0xFFFFC000  }
0xa9: {  	[spmem:s1] =	stream.indirect.scatter.add.f32 [tilespmem:s20], [sflag:$0x3], $0x80, s0, s19, $0xb8;
	[tilespmem:$0x1F000] =	vst v63  }
0xaa: {  	_ =	swait.ge [sflag:s17], $0x4000  }
0xab: {  	s31 =	smov.u32 s23;
	s30 =	sshra.s32 s2, $0x2;
	[sflag:s17] =	ssyncset.done $0x0  }
0xac: {  	s0 =	sadd.s32 $0x80, s30;
	[sflag:s17] =	ssyncadd.s32 $0xFFFFC000  }
0xad: {  	[tilespmem:s20], [sflag:$0x2] =	stream.indirect.gather [hbm4b:s4+s19], $0x80, s0, s19, $0xb8;
	[tilespmem:$0x1F000] =	vst v63  }
0xae: {  	_ =	swait.ge [sflag:s21], $0x4000  }
0xaf: {  	[sflag:s21] =	ssyncset.done $0x0  }
0xb0: {  	s2 =	sadd.s32 $0x1800, s30;
	[sflag:s21] =	ssyncadd.s32 $0xFFFFC000  }
0xb1: {  	[spmem:s1] =	stream.indirect.scatter.add.f32 [tilespmem:s16], [sflag:$0x3], $0x80, s2, s19, $0xb8;
	[tilespmem:$0x1F000] =	vst v63  }
0xb2: {  	_ =	swait.ge [sflag:s17], $0x4000  }
0xb3: {  	[sflag:s17] =	ssyncset.done $0x0  }
0xb4: {  	s23 =	sadd.s32 $0x100, s30;
	[sflag:s17] =	ssyncadd.s32 $0xFFFFC000  }
0xb5: {  	[tilespmem:s16], [sflag:$0x1] =	stream.indirect.gather [hbm4b:s4+s19], $0x80, s23, s19, $0xb8;
	[tilespmem:$0x1F000] =	vst v63  }
0xb6: {  	_ =	swait.ge [sflag:s22], $0x4000  }
0xb7: {  	[sflag:s22] =	ssyncset.done $0x0  }
0xb8: {  	s30 =	sadd.s32 $0x1880, s30;
	[sflag:s22] =	ssyncadd.s32 $0xFFFFC000  }
0xb9: {  	[spmem:s1] =	stream.indirect.scatter.add.f32 [tilespmem:s20], [sflag:$0x3], $0x80, s30, s19, $0xb8;
	[tilespmem:$0x1F000] =	vst v63  }
0xba: {  	_ =	swait.ge [sflag:s17], $0x4000  }
0xbb: {  	[sflag:s17] =	ssyncset.done $0x0  }
0xbc: {  	[sflag:s17] =	ssyncadd.s32 $0xFFFFC000  }
0xbd: {  	[tilespmem:s20], [sflag:$0x2] =	stream.indirect.gather [hbm4b:s4+s19], $0x80, s26, s19, $0xb8;
	[tilespmem:$0x1F000] =	vst v63  }
0xbe: {  	_ =	swait.ge [sflag:s21], $0x4000  }
0xbf: {  	[sflag:s21] =	ssyncset.done $0x0  }
0xc0: {  	[sflag:s21] =	ssyncadd.s32 $0xFFFFC000  }
0xc1: {  	[spmem:s1] =	stream.indirect.scatter.add.f32 [tilespmem:s16], [sflag:$0x3], $0x80, s28, s19, $0xb8;
	[tilespmem:$0x1F000] =	vst v63  }
0xc2: {  	_ =	swait.ge [sflag:s17], $0x4000  }
0xc3: {  	[sflag:s17] =	ssyncset.done $0x0  }
0xc4: {  	[sflag:s17] =	ssyncadd.s32 $0xFFFFC000  }
0xc5: {  	_ =	swait.ge [sflag:s22], $0x4000  }
0xc6: {  	[sflag:s22] =	ssyncset.done $0x0  }
0xc7: {  	[sflag:s22] =	ssyncadd.s32 $0xFFFFC000  }
0xc8: {  	[spmem:s1] =	stream.indirect.scatter.add.f32 [tilespmem:s20], [sflag:$0x3], $0x80, s29, s19, $0xb8;
	[tilespmem:$0x1F000] =	vst v63  }
0xc9: {  	s31 =	stileid.u32;
	_ =	swait.ge [sflag:s17], $0x4000  }
0xca: {  	s3 =	sadd.s32 $0x1, s3;
	s0 =	sshll.u32 s31, $0x6;
	[sflag:s17] =	ssyncset.done $0x0  }
0xcb: {  	p0 =	sne.s32 s3, s15;
	s0 =	sor.u32 $0x1C03, s0;
	[sflag:s17] =	ssyncadd.s32 $0xFFFFC000  }
.Ltmp3:
0xcc: {  	s2 =	sshrl.u32 s5, $0x3;
	[bflag:$0x0] =	sbarrier.arrive $0xFFFF;
	(pc) =	sbr.rel @p0 .LBB2_1-.Ltmp3, $4  }
0xcd: {  	[hbm:s14], [sflag:s0] =	dma.local [spmem:s2], $0x2800  }
0xce: {  	_ =	swait.ge [sflag:s17], $0x2800  }
0xcf: {  	[sflag:s17] =	ssyncset.done $0x0  }
0xd0: {  	[sflag:s17] =	ssyncadd.s32 $0xFFFFD800  }
0xd1: {  	_ =	sfence.sel $0x180000  }
0xd2: {  	[bflag:$0x0] =	sbarrier.arrive $0xFFFF  }
0xd3: {  	_ =	strace $0x9000004A  }
0xd4: {  	s0 =	stileid.u32;
	[bflag:$0x2] =	sbarrier.arrive $0xFFFF  }
0xd5: {  	p0 =	sne.s32 s0, $0x0;
	s0 =	rddreg [dreg:$0x2]  }
0xd6: {  	s0 =	sadd.s32 @!p0 $0x100000, s0  }
0xd7: {  	[sflag:s0] =	ssyncadd.tile.s32 @!p0 $0x1;
	_ =	shalt  }
.Lfunc_end2:
_tile_overlayer_lowered:
.L_overlay_start_2:
0xd8: {  	(tag) =	ssettag $0x2  }
0xd9: {  	s0 =	rddreg [dreg:$0x0];
	s2 =	stileid.u32  }
0xda: {  	s1 =	rddreg [dreg:$0x1];
	p0 =	sne.s32 s2, $0x0  }
0xdb: {  	s3 =	rddreg [dreg:$0x2];
	[bflag:$0x3] =	sbarrier.arrive $0xFFFF;
	s2 =	simm.s32 @!p0 $0x1C03  }
0xdc: {  	[timem:s3], [sflag:s2] =	dma.local @!p0 [hbm:s0], s1  }
0xdd: {  	s0 =	simm.s32 @!p0 $0x3  }
0xde: {  	_ =	swait.ge @!p0 [sflag:s0], s1  }
0xdf: {  	s1 =	ssub.s32 @!p0 $0x0, s1;
	[sflag:s0] =	ssyncset.done @!p0 $0x0  }
0xe0: {  	[sflag:s0] =	ssyncadd.s32 @!p0 s1  }
0xe1: {  	[bflag:$0x3] =	sbarrier.arrive $0xFFFF  }
0xe2: {  	_ =	shalt  }

// kernel: kernel.7.cloned.1.call-start
scs
__scs_entry_jumppad:
0x0: {  	(pc) =	sbr.rel $0x88, $3  }
0x1: {  	(tag) =	ssettag $0x0;
	lr =	simm.s32 $0x1  }
0x2: {  	[smem:$0x3F94] =	sst lr;
	_ =	strace $0xD0000000  }
0x3: {  	_ = 	snop  }
0x4: {  	_ = 	snop  }
0x5: {  	_ = 	snop  }
0x6: {  	_ = 	snop  }
0x7: {  	_ = 	snop  }
__scs_overlays_trampoline_lowered:
0x8: {  	[smem:$0x3FA3] =	sst s0  }
0x9: {  	[smem:$0x3FA4] =	sst s1  }
0xa: {  	[smem:$0x3FA5] =	sst s2  }
0xb: {  	[smem:$0x3FA6] =	sst s3  }
0xc: {  	[smem:$0x3FA7] =	sst s4  }
0xd: {  	[smem:$0x3FA8] =	sst s5  }
0xe: {  	[smem:$0x3FA9] =	sst s6  }
0xf: {  	[smem:$0x3FAA] =	sst s7  }
0x10: {  	[smem:$0x3FAB] =	sst s8  }
0x11: {  	[smem:$0x3FAC] =	sst s9;
	s0 =	simm.s32 @!p0 $0x0  }
0x12: {  	s1 =	sld [smem:$0x3F92];
	s0 =	simm.s32 @p0 $0x1  }
0x13: {  	[smem:$0x3FAD] =	sst s0;
	s0 =	simm.s32 @!p1 $0x0  }
0x14: {  	s2 =	sld [smem:$0x3F91];
	s0 =	simm.s32 @p1 $0x1  }
0x15: {  	[smem:$0x3FAE] =	sst s0;
	s0 =	simm.s32 @!p2 $0x0  }
0x16: {  	s3 =	sld [smem:$0x3FDB];
	s0 =	simm.s32 @p2 $0x1  }
0x17: {  	s4 =	simm.s32 $0x1BF5;
	[smem:$0x3FB0] =	sst s0  }
0x18: {  	s0 =	sld [smem:$0x3F93];
	_ =	swait.ge [sflag:s4], $0x0  }
0x19: {  	s7 =	sld [smem:$0x3F94]  }
0x1a: {  	s8 =	sadd.s32 $0xFFFFE003, lr  }
0x1b: {  	s9 =	sadd.s32 $0xFFFFFEF7, lr;
	s5 =	simm.s32 $0xFFFFFFFF;
	p2 =	slt.u32 s8, $0xFFFFF086  }
0x1c: {  	p1 =	slt.u32 s9, $0xF7A;
	s5 =	simm.s32 @!p2 $0x0  }
0x1d: {  	s5 =	simm.s32 @p1 $0x1;
	p0 =	seq.s32 s7, s2  }
0x1e: {  	s7 =	smul.u32 @!p0 $0xF7A, s2;
	p2 =	seq.s32 @!p0 s5, $0x0  }
0x1f: {  	s9 =	smul.u32 $0xF7A, s1;
	s8 =	simm.s32 @!p0 $0x1BF5;
	p2 =	por !p2, p0  }
0x20: {  	[sflag:s8] =	ssyncset.s32 @!p0 $0xFFFFF086;
	s6 =	sadd.s32 @!p0 s3, s7;
	s7 =	simm.s32 @!p0 $0x108  }
0x21: {  	s3 =	sadd.s32 s3, s9;
	s6 =	sadd.s32 @!p0 $0x88, s6;
	s7 =	simm.s32 @p2 $0x1082  }
0x22: {  	[simem:s7], [sflag:s8] =	dma.local @!p0 [hbm:s6], $0xF7A  }
0x23: {  	s9 =	sor.u32 $0xD0000000, s2;
	s6 =	simm.s32 $0x108;
	_ =	swait.ge @!p0 [sflag:s8], $0x0  }
0x24: {  	s3 =	sadd.s32 $0x88, s3;
	s6 =	simm.s32 @!p1 $0x1082;
	[sflag:s4] =	ssyncset.s32 $0xFFFFF086  }
0x25: {  	[simem:s6], [sflag:s4] =	dma.local [hbm:s3], $0xF7A  }
0x26: {  	[smem:$0x3F94] =	sst s1;
	(tag) =	ssettag s2;
	_ =	strace s9  }
0x27: {  	s1 =	sld [smem:$0x3FA4]  }
0x28: {  	s2 =	sld [smem:$0x3FA5]  }
0x29: {  	s4 =	sld [smem:$0x3FA7]  }
0x2a: {  	p0 =	seq.s32 s5, $0x0;
	s5 =	sld [smem:$0x3FA8]  }
0x2b: {  	s6 =	sld [smem:$0x3FA9]  }
0x2c: {  	s7 =	sld [smem:$0x3FAA]  }
0x2d: {  	s3 =	simm.s32 $0x108;
	s8 =	sld [smem:$0x3FAB]  }
0x2e: {  	s3 =	simm.s32 @!p0 $0x1082;
	s9 =	sld [smem:$0x3FAC]  }
0x2f: {  	lr =	sadd.s32 s0, s3;
	s0 =	sld [smem:$0x3FA3]  }
0x30: {  	s3 =	sld [smem:$0x3FA6]  }
0x31: {  	[smem:$0x3FAF] =	sst s10  }
0x32: {  	s10 =	sld [smem:$0x3FAD];
	_ =	sdelay $0x3  }
0x33: {  	p0 =	seq.s32 s10, $0x1;
	s10 =	sld [smem:$0x3FAF];
	_ =	sdelay $0x3  }
0x34: {  	[smem:$0x3FAF] =	sst s10  }
0x35: {  	s10 =	sld [smem:$0x3FAE];
	_ =	sdelay $0x3  }
0x36: {  	p1 =	seq.s32 s10, $0x1;
	s10 =	sld [smem:$0x3FAF];
	_ =	sdelay $0x3  }
0x37: {  	[smem:$0x3FAF] =	sst s10  }
0x38: {  	s10 =	sld [smem:$0x3FB0]  }
0x39: {  	_ = 	snop;
	(pc) =	sbr.ind lr, $3  }
0x3a: {  	_ = 	snop  }
0x3b: {  	_ = 	snop  }
0x3c: {  	p2 =	seq.s32 s10, $0x1;
	s10 =	sld [smem:$0x3FAF]  }
0x3d: {  	_ =	shalt  }
0x3e: {  	_ =	shalt  }
0x3f: {  	_ =	shalt  }
0x40: {  	_ =	shalt  }
0x41: {  	_ =	shalt  }
0x42: {  	_ =	shalt  }
0x43: {  	_ =	shalt  }
0x44: {  	_ =	shalt  }
0x45: {  	_ =	shalt  }
0x46: {  	_ =	shalt  }
0x47: {  	_ =	shalt  }
0x48: {  	_ =	shalt  }
0x49: {  	_ =	shalt  }
0x4a: {  	_ =	shalt  }
0x4b: {  	_ =	shalt  }
0x4c: {  	_ =	shalt  }
0x4d: {  	_ =	shalt  }
0x4e: {  	_ =	shalt  }
0x4f: {  	_ =	shalt  }
0x50: {  	_ =	shalt  }
0x51: {  	_ =	shalt  }
0x52: {  	_ =	shalt  }
0x53: {  	_ =	shalt  }
0x54: {  	_ =	shalt  }
0x55: {  	_ =	shalt  }
0x56: {  	_ =	shalt  }
0x57: {  	_ =	shalt  }
0x58: {  	_ =	shalt  }
0x59: {  	_ =	shalt  }
0x5a: {  	_ =	shalt  }
0x5b: {  	_ =	shalt  }
0x5c: {  	_ =	shalt  }
0x5d: {  	_ =	shalt  }
0x5e: {  	_ =	shalt  }
0x5f: {  	_ =	shalt  }
0x60: {  	_ =	shalt  }
0x61: {  	_ =	shalt  }
0x62: {  	_ =	shalt  }
0x63: {  	_ =	shalt  }
0x64: {  	_ =	shalt  }
0x65: {  	_ =	shalt  }
0x66: {  	_ =	shalt  }
0x67: {  	_ =	shalt  }
0x68: {  	_ =	shalt  }
0x69: {  	_ =	shalt  }
0x6a: {  	_ =	shalt  }
0x6b: {  	_ =	shalt  }
0x6c: {  	_ =	shalt  }
0x6d: {  	_ =	shalt  }
0x6e: {  	_ =	shalt  }
0x6f: {  	_ =	shalt  }
0x70: {  	_ =	shalt  }
0x71: {  	_ =	shalt  }
0x72: {  	_ =	shalt  }
0x73: {  	_ =	shalt  }
0x74: {  	_ =	shalt  }
0x75: {  	_ =	shalt  }
0x76: {  	_ =	shalt  }
0x77: {  	_ =	shalt  }
0x78: {  	_ =	shalt  }
0x79: {  	_ =	shalt  }
0x7a: {  	_ =	shalt  }
0x7b: {  	_ =	shalt  }
0x7c: {  	_ =	shalt  }
0x7d: {  	_ =	shalt  }
0x7e: {  	_ =	shalt  }
0x7f: {  	_ =	shalt  }
0x80: {  	_ =	shalt  }
0x81: {  	_ =	shalt  }
0x82: {  	_ =	shalt  }
0x83: {  	_ =	shalt  }
0x84: {  	_ =	shalt  }
0x85: {  	_ =	shalt  }
0x86: {  	_ =	shalt  }
0x87: {  	_ =	shalt  }
.Lfunc_end0:
.L_simem_size_0:
called_computation_lowered:
.L_overlay_start_0:
0x88: {  	s2 =	sld [smem:$0x3FD9]  }
0x89: {  	s3 =	sld [smem:$0x3FFE];
	_ =	sdelay $0x1  }
0x8a: {  	s1 =	srdreg.scid  }
0x8b: {  	s0 =	sand.u32 $0x1, s1  }
0x8c: {  	s16 =	sshll.u32 s0, $0xA;
	s2 =	sadd.s32 s3, s2  }
0x8d: {  	s2 =	sadd.s32 s2, s16  }
0x8e: {  	[smem:$0x3FBB] =	sst s2  }
0x8f: {  	_ = 	snop  }
0x90: {  	(tm) =	ssettm $0x1  }
0x91: {  	s17 =	sld [smem:$0x3FFB];
	_ =	sdelay $0x3  }
0x92: {  	_ =	strace s17  }
0x93: {  	s2 =	sld [smem:$0x3FFC];
	_ =	sdelay $0x3  }
0x94: {  	_ =	strace s2  }
0x95: {  	s2 =	sld [smem:$0x3FFD];
	_ =	sdelay $0x3  }
0x96: {  	_ =	strace s2  }
0x97: {  	_ =	strace $0x8FFFFFFF  }
0x98: {  	s18 =	sld [smem:$0x3FDB];
	_ =	sdelay $0x1  }
0x99: {  	s19 =	simm.s32 $_scs_section_size  }
0x9a: {  	s4 =	simm.s32 $_size__tile_overlayer_lowered;
	s5 =	simm.s32 $_tile_overlayer_lowered  }
0x9b: {  	s22 =	simm.s32 $0x1BFF;
	s21 =	sshll.u32 s5, $0x1;
	s2 =	sadd.s32 s19, s18  }
0x9c: {  	s6 =	simm.s32 $0x0;
	s20 =	sshll.u32 s4, $0x1;
	s4 =	sadd.s32 s21, s2  }
0x9d: {  	[timem:s6], [sflag:s22] =	dma.local [hbm:s4], s20  }
0x9e: {  	_ =	swait.ge [sflag:s22], s20  }
0x9f: {  	s3 =	ssub.s32 $0x0, s20;
	[sflag:s22] =	ssyncset.done $0x0  }
0xa0: {  	[sflag:s22] =	ssyncadd.s32 s3;
	_ =	sdelay $0x1  }
0xa1: {  	s23 =	simm.s32 $0x1B8B  }
0xa2: {  	_ =	swait.ge [sflag:s23], $0x1  }
0xa3: {  	[sflag:s23] =	ssyncset.done $0x0  }
0xa4: {  	s25 =	simm.s32 $0x1B8E;
	s24 =	sld [smem:$0x3FFE];
	[sflag:s23] =	ssyncadd.s32 $0xFFFFFFFF  }
0xa5: {  	s26 =	simm.s32 $execute0_lowered;
	[smem:$0x3FD2] =	sst s25  }
0xa6: {  	s4 =	sshll.u32 s26, $0x1;
	_ =	strace $0x80000046;
	[dreg:$0x1] =	wrdreg $0xFFFFFFFF  }
0xa7: {  	s28 =	simm.s32 $_size_execute0_lowered;
	s2 =	sadd.s32 s2, s4;
	[dreg:$0x0] =	wrdreg $0x0  }
0xa8: {  	s4 =	sshll.u32 s28, $0x1;
	[dreg:$0x2] =	wrdreg s2  }
0xa9: {  	[dreg:$0x3] =	wrdreg s4  }
0xaa: {  	[dreg:$0x4] =	wrdreg $0xC0  }
0xab: {  	_ =	task [dreg:s6], $0x5FFFF  }
0xac: {  	[dreg:$0x1] =	wrdreg $0xFFFFFFFF  }
0xad: {  	[dreg:$0x0] =	wrdreg $0x60  }
0xae: {  	[dreg:$0x2] =	wrdreg s24  }
0xaf: {  	[dreg:$0x3] =	wrdreg $0xB0000  }
0xb0: {  	[dreg:$0x4] =	wrdreg $0x9  }
0xb1: {  	_ =	task.clear_ibuf [dreg:s6], $0x5FFFF;
	_ =	strace $0x90000046  }
0xb2: {  	s29 =	simm.s32 $0x9;
	_ =	strace $0x80000048  }
0xb3: {  	_ =	swait.ge [sflag:s29], $0x1  }
0xb4: {  	[sflag:s29] =	ssyncadd.s32 $0xFFFFFFFF  }
0xb5: {  	_ =	strace $0x90000048  }
0xb6: {  	_ =	sfence  }
0xb7: {  	s30 =	sld [smem:$0x0];
	_ =	sdelay $0x2  }
0xb8: {  	s31 =	sshll.u32 s1, $0xD;
	s1 =	sshrl.u32 s1, $0x2  }
0xb9: {  	s3 =	sand.u32 $0x4000, s31;
	s1 =	sadd.s32 s1, s30  }
0xba: {  	s0 =	sor.u32 s3, s0;
	s1 =	sshll.u32 s1, $0x11  }
0xbb: {  	s0 =	sor.u32 s1, s0  }
0xbc: {  	s0 =	sadd.s32 $0x8F2B, s0  }
0xbd: {  	[sflag:s0] =	ssyncadd.remote.s32 $0x1  }
0xbe: {  	_ =	sfence.sel $0xFFFF  }
0xbf: {  	[dreg:$0x0] =	wrdreg $0xFFFFFFFF;
	(pc) =	sbr.abs _section_cstart, $3  }
0xc0: {  	[dreg:$0x1] =	wrdreg $0xFFFFFFFF  }
0xc1: {  	_ =	task.clear_ibuf [dreg:s6], $0x2FFFF;
	_ =	strace $0x9FFFFFFF  }
0xc2: {  	(tm) =	ssettm $0x7FFFFFFF  }
0xc3: {  	_ =	shalt  }
tec
execute0_lowered:
.L_overlay_start_1:
0x0: {  	(tag) =	ssettag $0x1  }
0x1: {  	s6 =	rddreg [dreg:$0x0]  }
0x2: {  	s1 =	rddreg [dreg:$0x1];
	s2 =	srdreg.scid;
	s3 =	simm.s32 $0x0  }
0x3: {  	s0 =	stileid.u32;
	s17 =	simm.s32 $0x3;
	s18 =	simm.s32 $0x1800  }
0x4: {  	s19 =	simm.s32 $0x80;
	s20 =	simm.s32 $0x7000;
	s21 =	simm.s32 $0x1  }
0x5: {  	s22 =	simm.s32 $0x2;
	s24 =	simm.s32 $0x2F00;
	s25 =	simm.s32 $0x2F80  }
0x6: {  	s28 =	simm.s32 $0x2B00;
	s29 =	simm.s32 $0x2B80;
	s5 =	sand.u32 $0x1, s2  }
0x7: {  	[smem:$0x7FF] =	sst s3;
	s8 =	smul.u32 $0x14000, s0;
	s4 =	sadd.s32 $0x17C00, s6  }
0x8: {  	s12 =	sadd.s32 $0x1C00, s6;
	s26 =	smul.u32 $0x50000, s0;
	s13 =	sadd.s32 $0xCC00, s6  }
0x9: {  	s7 =	smul.u32 $0x140000, s5;
	_ =	strace $0x80000047;
	s9 =	sshll.u32 s5, $0x4  }
0xa: {  	s10 =	ssub.s32 $0x2, s5;
	s9 =	sor.u32 s0, s9;
	s30 =	sshrl.u32 s26, $0x2  }
0xb: {  	s31 =	sshrl.u32 s10, $0x1;
	s26 =	simm.s32 $0x1380;
	s7 =	sadd.s32 s8, s7  }
0xc: {  	s5 =	sadd.s32 s30, s1;
	s9 =	smul.u32 $0x2C00, s9;
	s15 =	ssub.s32 s10, s31  }
0xd: {  	s7 =	sshrl.u32 s7, $0x3;
	s8 =	sadd.s32 $0xC000, s5;
	s15 =	smax.u32 s15, $0x1  }
0xe: {  	s14 =	sadd.s32 s7, s6;
	s6 =	sadd.s32 $0x4000, s5;
	s11 =	sshrl.u32 s9, $0x3  }
0xf: {  	s7 =	sadd.s32 $0x8000, s5;
	s9 =	sadd.s32 $0x10000, s5;
	s10 =	sadd.s32 s12, s11  }
0x10: {  	s16 =	sadd.s32 $0x300, s11;
	s11 =	sadd.s32 s13, s11;
	s14 =	sadd.s32 $0xC7C00, s14  }
0x11: {  	v0 =	vimm.f32 $0.0e+00;
	s12 =	sadd.s32 s12, s16;
	s13 =	sadd.s32 s13, s16;
	s16 =	simm.s32 $0x3000  }
.LBB2_1:
0x12: {  	s30 =	simm.s32 $0x0;
	s31 =	simm.s32 $0x200  }
.LBB2_2:
0x13: {  	p0 =	sne.s32 s31, $0xFE00;
	[tilespmem:s30+$0x3070] =	vst v0  }
0x14: {  	[tilespmem:s30+$0x3000] =	vst v0  }
0x15: {  	[tilespmem:s30+$0x3010] =	vst v0  }
.Ltmp0:
0x16: {  	[tilespmem:s30+$0x3020] =	vst v0;
	(pc) =	sbr.rel @p0 .LBB2_2-.Ltmp0, $4  }
0x17: {  	[tilespmem:s30+$0x3030] =	vst v0  }
0x18: {  	[tilespmem:s30+$0x3040] =	vst v0  }
0x19: {  	[tilespmem:s30+$0x3050] =	vst v0  }
0x1a: {  	[tilespmem:s30+$0x3060] =	vst v0;
	s30 =	sshra.s32 s31, $0x2;
	s31 =	sadd.s32 $0x200, s31  }
0x1b: {  	[tilespmem:s30+$0x3070] =	vst v0  }
0x1c: {  	[tilespmem:s30+$0x3000] =	vst v0  }
0x1d: {  	[tilespmem:s30+$0x3010] =	vst v0  }
0x1e: {  	[tilespmem:s30+$0x3020] =	vst v0  }
0x1f: {  	[tilespmem:s30+$0x3030] =	vst v0  }
0x20: {  	[tilespmem:s30+$0x3040] =	vst v0  }
0x21: {  	[tilespmem:s30+$0x3050] =	vst v0  }
0x22: {  	[tilespmem:s30+$0x3060] =	vst v0  }
0x23: {  	[spmem:s5] =	stream.linear.scatter [tilespmem:s16], [sflag:$0x3], $0x4000, $0x38;
	[tilespmem:$0x1F000] =	vst v63  }
0x24: {  	_ =	swait.ge [sflag:s17], $0x4000  }
0x25: {  	[sflag:s17] =	ssyncset.done $0x0  }
0x26: {  	[sflag:s17] =	ssyncadd.s32 $0xFFFFC000  }
0x27: {  	[spmem:s6] =	stream.linear.scatter [tilespmem:s16], [sflag:$0x3], $0x4000, $0x38;
	[tilespmem:$0x1F000] =	vst v63  }
0x28: {  	_ =	swait.ge [sflag:s17], $0x4000  }
0x29: {  	[sflag:s17] =	ssyncset.done $0x0  }
0x2a: {  	[sflag:s17] =	ssyncadd.s32 $0xFFFFC000  }
0x2b: {  	[spmem:s7] =	stream.linear.scatter [tilespmem:s16], [sflag:$0x3], $0x4000, $0x38;
	[tilespmem:$0x1F000] =	vst v63  }
0x2c: {  	_ =	swait.ge [sflag:s17], $0x4000  }
0x2d: {  	[sflag:s17] =	ssyncset.done $0x0  }
0x2e: {  	[sflag:s17] =	ssyncadd.s32 $0xFFFFC000  }
0x2f: {  	[spmem:s8] =	stream.linear.scatter [tilespmem:s16], [sflag:$0x3], $0x4000, $0x38;
	[tilespmem:$0x1F000] =	vst v63  }
0x30: {  	_ =	swait.ge [sflag:s17], $0x4000  }
0x31: {  	[sflag:s17] =	ssyncset.done $0x0  }
0x32: {  	[sflag:s17] =	ssyncadd.s32 $0xFFFFC000  }
0x33: {  	[spmem:s9] =	stream.linear.scatter [tilespmem:s16], [sflag:$0x3], $0x4000, $0x38;
	[tilespmem:$0x1F000] =	vst v63  }
0x34: {  	_ =	swait.ge [sflag:s17], $0x4000  }
0x35: {  	[sflag:s17] =	ssyncset.done $0x0  }
0x36: {  	[sflag:s17] =	ssyncadd.s32 $0xFFFFC000  }
0x37: {  	s30 =	simm.s32 $0x0;
	[bflag:$0x0] =	sbarrier.arrive $0xFFFF  }
0x38: {  	[tilespmem:s30], [sflag:$0x3] =	stream.linear.gather [hbm4b:s10+s30], $0x1800, $0x38;
	[tilespmem:$0x1F000] =	vst v63  }
0x39: {  	_ =	swait.ge [sflag:s17], $0x1800  }
0x3a: {  	[sflag:s17] =	ssyncset.done $0x0  }
0x3b: {  	[sflag:s17] =	ssyncadd.s32 $0xFFFFE800  }
0x3c: {  	[tilespmem:s18], [sflag:$0x3] =	stream.linear.gather [hbm4b:s11+s30], $0x1800, $0x38;
	[tilespmem:$0x1F000] =	vst v63  }
0x3d: {  	_ =	swait.ge [sflag:s17], $0x1800  }
0x3e: {  	[sflag:s17] =	ssyncset.done $0x0  }
0x3f: {  	[sflag:s17] =	ssyncadd.s32 $0xFFFFE800  }
0x40: {  	[tilespmem:s16], [sflag:$0x1] =	stream.indirect.gather [hbm4b:s4+s19], $0x80, s30, s19, $0xb8;
	[tilespmem:$0x1F000] =	vst v63  }
0x41: {  	s30 =	simm.s32 $0x80  }
0x42: {  	[tilespmem:s20], [sflag:$0x2] =	stream.indirect.gather [hbm4b:s4+s19], $0x80, s30, s19, $0xb8;
	[tilespmem:$0x1F000] =	vst v63  }
0x43: {  	_ =	swait.ge [sflag:s21], $0x4000  }
0x44: {  	[sflag:s21] =	ssyncset.done $0x0  }
0x45: {  	s30 =	simm.s32 $0x1800;
	[sflag:s21] =	ssyncadd.s32 $0xFFFFC000  }
0x46: {  	[spmem:s1] =	stream.indirect.scatter.add.f32 [tilespmem:s16], [sflag:$0x3], $0x80, s30, s19, $0xb8;
	[tilespmem:$0x1F000] =	vst v63  }
0x47: {  	_ =	swait.ge [sflag:s17], $0x4000  }
0x48: {  	[sflag:s17] =	ssyncset.done $0x0  }
0x49: {  	s30 =	simm.s32 $0x100;
	[sflag:s17] =	ssyncadd.s32 $0xFFFFC000  }
0x4a: {  	[tilespmem:s16], [sflag:$0x1] =	stream.indirect.gather [hbm4b:s4+s19], $0x80, s30, s19, $0xb8;
	[tilespmem:$0x1F000] =	vst v63  }
0x4b: {  	_ =	swait.ge [sflag:s22], $0x4000  }
0x4c: {  	[sflag:s22] =	ssyncset.done $0x0  }
0x4d: {  	s30 =	simm.s32 $0x1880;
	[sflag:s22] =	ssyncadd.s32 $0xFFFFC000  }
0x4e: {  	[spmem:s1] =	stream.indirect.scatter.add.f32 [tilespmem:s20], [sflag:$0x3], $0x80, s30, s19, $0xb8;
	[tilespmem:$0x1F000] =	vst v63  }
0x4f: {  	_ =	swait.ge [sflag:s17], $0x4000  }
0x50: {  	s31 =	simm.s32 $0x800;
	s30 =	simm.s32 $0x100;
	[sflag:s17] =	ssyncset.done $0x0  }
.LBB2_4:
0x51: {  	s0 =	sadd.s32 $0x80, s30  }
0x52: {  	[sflag:s17] =	ssyncadd.s32 $0xFFFFC000;
	s2 =	smov.u32 s31;
	s23 =	sadd.s32 $0x400, s31  }
0x53: {  	[tilespmem:s20], [sflag:$0x2] =	stream.indirect.gather [hbm4b:s4+s19], $0x80, s0, s19, $0xb8;
	[tilespmem:$0x1F000] =	vst v63  }
0x54: {  	p0 =	sne.s32 s31, $0x5800;
	_ =	swait.ge [sflag:s21], $0x4000  }
0x55: {  	[sflag:s21] =	ssyncset.done $0x0  }
0x56: {  	s0 =	sadd.s32 $0x1800, s30;
	[sflag:s21] =	ssyncadd.s32 $0xFFFFC000  }
0x57: {  	[spmem:s1] =	stream.indirect.scatter.add.f32 [tilespmem:s16], [sflag:$0x3], $0x80, s0, s19, $0xb8;
	[tilespmem:$0x1F000] =	vst v63  }
0x58: {  	_ =	swait.ge [sflag:s17], $0x4000  }
0x59: {  	[sflag:s17] =	ssyncset.done $0x0  }
0x5a: {  	s0 =	sadd.s32 $0x100, s30;
	[sflag:s17] =	ssyncadd.s32 $0xFFFFC000  }
0x5b: {  	[tilespmem:s16], [sflag:$0x1] =	stream.indirect.gather [hbm4b:s4+s19], $0x80, s0, s19, $0xb8;
	[tilespmem:$0x1F000] =	vst v63  }
0x5c: {  	_ =	swait.ge [sflag:s22], $0x4000  }
.Ltmp1:
0x5d: {  	[sflag:s22] =	ssyncset.done $0x0;
	(pc) =	sbr.rel @p0 .LBB2_4-.Ltmp1, $4  }
0x5e: {  	s0 =	sadd.s32 $0x1880, s30;
	[sflag:s22] =	ssyncadd.s32 $0xFFFFC000  }
0x5f: {  	[spmem:s1] =	stream.indirect.scatter.add.f32 [tilespmem:s20], [sflag:$0x3], $0x80, s0, s19, $0xb8;
	[tilespmem:$0x1F000] =	vst v63  }
0x60: {  	_ =	swait.ge [sflag:s17], $0x4000  }
0x61: {  	s31 =	smov.u32 s23;
	s30 =	sshra.s32 s2, $0x2;
	[sflag:s17] =	ssyncset.done $0x0  }
0x62: {  	s0 =	sadd.s32 $0x80, s30;
	[sflag:s17] =	ssyncadd.s32 $0xFFFFC000  }
0x63: {  	[tilespmem:s20], [sflag:$0x2] =	stream.indirect.gather [hbm4b:s4+s19], $0x80, s0, s19, $0xb8;
	[tilespmem:$0x1F000] =	vst v63  }
0x64: {  	_ =	swait.ge [sflag:s21], $0x4000  }
0x65: {  	[sflag:s21] =	ssyncset.done $0x0  }
0x66: {  	s23 =	sadd.s32 $0x1800, s30;
	[sflag:s21] =	ssyncadd.s32 $0xFFFFC000  }
0x67: {  	[spmem:s1] =	stream.indirect.scatter.add.f32 [tilespmem:s16], [sflag:$0x3], $0x80, s23, s19, $0xb8;
	[tilespmem:$0x1F000] =	vst v63  }
0x68: {  	_ =	swait.ge [sflag:s17], $0x4000  }
0x69: {  	[sflag:s17] =	ssyncset.done $0x0  }
0x6a: {  	s2 =	sadd.s32 $0x100, s30;
	[sflag:s17] =	ssyncadd.s32 $0xFFFFC000  }
0x6b: {  	[tilespmem:s16], [sflag:$0x1] =	stream.indirect.gather [hbm4b:s4+s19], $0x80, s2, s19, $0xb8;
	[tilespmem:$0x1F000] =	vst v63  }
0x6c: {  	_ =	swait.ge [sflag:s22], $0x4000  }
0x6d: {  	[sflag:s22] =	ssyncset.done $0x0  }
0x6e: {  	s23 =	sadd.s32 $0x1880, s30;
	[sflag:s22] =	ssyncadd.s32 $0xFFFFC000  }
0x6f: {  	[spmem:s1] =	stream.indirect.scatter.add.f32 [tilespmem:s20], [sflag:$0x3], $0x80, s23, s19, $0xb8;
	[tilespmem:$0x1F000] =	vst v63  }
0x70: {  	_ =	swait.ge [sflag:s17], $0x4000  }
0x71: {  	[sflag:s17] =	ssyncset.done $0x0  }
0x72: {  	s2 =	simm.s32 $0x1780;
	[sflag:s17] =	ssyncadd.s32 $0xFFFFC000  }
0x73: {  	[tilespmem:s20], [sflag:$0x2] =	stream.indirect.gather [hbm4b:s4+s19], $0x80, s2, s19, $0xb8;
	[tilespmem:$0x1F000] =	vst v63  }
0x74: {  	_ =	swait.ge [sflag:s21], $0x4000  }
0x75: {  	[sflag:s21] =	ssyncset.done $0x0  }
0x76: {  	[sflag:s21] =	ssyncadd.s32 $0xFFFFC000  }
0x77: {  	[spmem:s1] =	stream.indirect.scatter.add.f32 [tilespmem:s16], [sflag:$0x3], $0x80, s24, s19, $0xb8;
	[tilespmem:$0x1F000] =	vst v63  }
0x78: {  	_ =	swait.ge [sflag:s17], $0x4000  }
0x79: {  	[sflag:s17] =	ssyncset.done $0x0  }
0x7a: {  	[sflag:s17] =	ssyncadd.s32 $0xFFFFC000  }
0x7b: {  	_ =	swait.ge [sflag:s22], $0x4000  }
0x7c: {  	[sflag:s22] =	ssyncset.done $0x0  }
0x7d: {  	[sflag:s22] =	ssyncadd.s32 $0xFFFFC000  }
0x7e: {  	[spmem:s1] =	stream.indirect.scatter.add.f32 [tilespmem:s20], [sflag:$0x3], $0x80, s25, s19, $0xb8;
	[tilespmem:$0x1F000] =	vst v63  }
0x7f: {  	_ =	swait.ge [sflag:s17], $0x4000  }
0x80: {  	[sflag:s17] =	ssyncset.done $0x0  }
0x81: {  	s23 =	simm.s32 $0x0;
	[sflag:s17] =	ssyncadd.s32 $0xFFFFC000  }
0x82: {  	[tilespmem:s23], [sflag:$0x3] =	stream.linear.gather [hbm4b:s12+s23], $0x1400, $0x38;
	[tilespmem:$0x1F000] =	vst v63  }
0x83: {  	_ =	swait.ge [sflag:s17], $0x1400  }
0x84: {  	[sflag:s17] =	ssyncset.done $0x0  }
0x85: {  	[sflag:s17] =	ssyncadd.s32 $0xFFFFEC00  }
0x86: {  	[tilespmem:s18], [sflag:$0x3] =	stream.linear.gather [hbm4b:s13+s23], $0x1400, $0x38;
	[tilespmem:$0x1F000] =	vst v63  }
0x87: {  	_ =	swait.ge [sflag:s17], $0x1400  }
0x88: {  	[sflag:s17] =	ssyncset.done $0x0  }
0x89: {  	[sflag:s17] =	ssyncadd.s32 $0xFFFFEC00  }
0x8a: {  	[tilespmem:s16], [sflag:$0x1] =	stream.indirect.gather [hbm4b:s4+s19], $0x80, s23, s19, $0xb8;
	[tilespmem:$0x1F000] =	vst v63  }
0x8b: {  	s2 =	simm.s32 $0x80  }
0x8c: {  	[tilespmem:s20], [sflag:$0x2] =	stream.indirect.gather [hbm4b:s4+s19], $0x80, s2, s19, $0xb8;
	[tilespmem:$0x1F000] =	vst v63  }
0x8d: {  	_ =	swait.ge [sflag:s21], $0x4000  }
0x8e: {  	[sflag:s21] =	ssyncset.done $0x0  }
0x8f: {  	s23 =	simm.s32 $0x1800;
	[sflag:s21] =	ssyncadd.s32 $0xFFFFC000  }
0x90: {  	[spmem:s1] =	stream.indirect.scatter.add.f32 [tilespmem:s16], [sflag:$0x3], $0x80, s23, s19, $0xb8;
	[tilespmem:$0x1F000] =	vst v63  }
0x91: {  	_ =	swait.ge [sflag:s17], $0x4000  }
0x92: {  	[sflag:s17] =	ssyncset.done $0x0  }
0x93: {  	s2 =	simm.s32 $0x100;
	[sflag:s17] =	ssyncadd.s32 $0xFFFFC000  }
0x94: {  	[tilespmem:s16], [sflag:$0x1] =	stream.indirect.gather [hbm4b:s4+s19], $0x80, s2, s19, $0xb8;
	[tilespmem:$0x1F000] =	vst v63  }
0x95: {  	_ =	swait.ge [sflag:s22], $0x4000  }
0x96: {  	[sflag:s22] =	ssyncset.done $0x0  }
0x97: {  	s23 =	simm.s32 $0x1880;
	[sflag:s22] =	ssyncadd.s32 $0xFFFFC000  }
0x98: {  	[spmem:s1] =	stream.indirect.scatter.add.f32 [tilespmem:s20], [sflag:$0x3], $0x80, s23, s19, $0xb8;
	[tilespmem:$0x1F000] =	vst v63  }
0x99: {  	_ =	swait.ge [sflag:s17], $0x4000  }
0x9a: {  	s31 =	simm.s32 $0x800;
	s30 =	simm.s32 $0x100;
	[sflag:s17] =	ssyncset.done $0x0  }
.LBB2_6:
0x9b: {  	s0 =	sadd.s32 $0x80, s30  }
0x9c: {  	[sflag:s17] =	ssyncadd.s32 $0xFFFFC000;
	s2 =	smov.u32 s31;
	s23 =	sadd.s32 $0x400, s31  }
0x9d: {  	[tilespmem:s20], [sflag:$0x2] =	stream.indirect.gather [hbm4b:s4+s19], $0x80, s0, s19, $0xb8;
	[tilespmem:$0x1F000] =	vst v63  }
0x9e: {  	p0 =	sne.s32 s31, $0x4800;
	_ =	swait.ge [sflag:s21], $0x4000  }
0x9f: {  	[sflag:s21] =	ssyncset.done $0x0  }
0xa0: {  	s0 =	sadd.s32 $0x1800, s30;
	[sflag:s21] =	ssyncadd.s32 $0xFFFFC000  }
0xa1: {  	[spmem:s1] =	stream.indirect.scatter.add.f32 [tilespmem:s16], [sflag:$0x3], $0x80, s0, s19, $0xb8;
	[tilespmem:$0x1F000] =	vst v63  }
0xa2: {  	_ =	swait.ge [sflag:s17], $0x4000  }
0xa3: {  	[sflag:s17] =	ssyncset.done $0x0  }
0xa4: {  	s0 =	sadd.s32 $0x100, s30;
	[sflag:s17] =	ssyncadd.s32 $0xFFFFC000  }
0xa5: {  	[tilespmem:s16], [sflag:$0x1] =	stream.indirect.gather [hbm4b:s4+s19], $0x80, s0, s19, $0xb8;
	[tilespmem:$0x1F000] =	vst v63  }
0xa6: {  	_ =	swait.ge [sflag:s22], $0x4000  }
.Ltmp2:
0xa7: {  	[sflag:s22] =	ssyncset.done $0x0;
	(pc) =	sbr.rel @p0 .LBB2_6-.Ltmp2, $4  }
0xa8: {  	s0 =	sadd.s32 $0x1880, s30;
	[sflag:s22] =	ssyncadd.s32 $0xFFFFC000  }
0xa9: {  	[spmem:s1] =	stream.indirect.scatter.add.f32 [tilespmem:s20], [sflag:$0x3], $0x80, s0, s19, $0xb8;
	[tilespmem:$0x1F000] =	vst v63  }
0xaa: {  	_ =	swait.ge [sflag:s17], $0x4000  }
0xab: {  	s31 =	smov.u32 s23;
	s30 =	sshra.s32 s2, $0x2;
	[sflag:s17] =	ssyncset.done $0x0  }
0xac: {  	s0 =	sadd.s32 $0x80, s30;
	[sflag:s17] =	ssyncadd.s32 $0xFFFFC000  }
0xad: {  	[tilespmem:s20], [sflag:$0x2] =	stream.indirect.gather [hbm4b:s4+s19], $0x80, s0, s19, $0xb8;
	[tilespmem:$0x1F000] =	vst v63  }
0xae: {  	_ =	swait.ge [sflag:s21], $0x4000  }
0xaf: {  	[sflag:s21] =	ssyncset.done $0x0  }
0xb0: {  	s2 =	sadd.s32 $0x1800, s30;
	[sflag:s21] =	ssyncadd.s32 $0xFFFFC000  }
0xb1: {  	[spmem:s1] =	stream.indirect.scatter.add.f32 [tilespmem:s16], [sflag:$0x3], $0x80, s2, s19, $0xb8;
	[tilespmem:$0x1F000] =	vst v63  }
0xb2: {  	_ =	swait.ge [sflag:s17], $0x4000  }
0xb3: {  	[sflag:s17] =	ssyncset.done $0x0  }
0xb4: {  	s23 =	sadd.s32 $0x100, s30;
	[sflag:s17] =	ssyncadd.s32 $0xFFFFC000  }
0xb5: {  	[tilespmem:s16], [sflag:$0x1] =	stream.indirect.gather [hbm4b:s4+s19], $0x80, s23, s19, $0xb8;
	[tilespmem:$0x1F000] =	vst v63  }
0xb6: {  	_ =	swait.ge [sflag:s22], $0x4000  }
0xb7: {  	[sflag:s22] =	ssyncset.done $0x0  }
0xb8: {  	s30 =	sadd.s32 $0x1880, s30;
	[sflag:s22] =	ssyncadd.s32 $0xFFFFC000  }
0xb9: {  	[spmem:s1] =	stream.indirect.scatter.add.f32 [tilespmem:s20], [sflag:$0x3], $0x80, s30, s19, $0xb8;
	[tilespmem:$0x1F000] =	vst v63  }
0xba: {  	_ =	swait.ge [sflag:s17], $0x4000  }
0xbb: {  	[sflag:s17] =	ssyncset.done $0x0  }
0xbc: {  	[sflag:s17] =	ssyncadd.s32 $0xFFFFC000  }
0xbd: {  	[tilespmem:s20], [sflag:$0x2] =	stream.indirect.gather [hbm4b:s4+s19], $0x80, s26, s19, $0xb8;
	[tilespmem:$0x1F000] =	vst v63  }
0xbe: {  	_ =	swait.ge [sflag:s21], $0x4000  }
0xbf: {  	[sflag:s21] =	ssyncset.done $0x0  }
0xc0: {  	[sflag:s21] =	ssyncadd.s32 $0xFFFFC000  }
0xc1: {  	[spmem:s1] =	stream.indirect.scatter.add.f32 [tilespmem:s16], [sflag:$0x3], $0x80, s28, s19, $0xb8;
	[tilespmem:$0x1F000] =	vst v63  }
0xc2: {  	_ =	swait.ge [sflag:s17], $0x4000  }
0xc3: {  	[sflag:s17] =	ssyncset.done $0x0  }
0xc4: {  	[sflag:s17] =	ssyncadd.s32 $0xFFFFC000  }
0xc5: {  	_ =	swait.ge [sflag:s22], $0x4000  }
0xc6: {  	[sflag:s22] =	ssyncset.done $0x0  }
0xc7: {  	[sflag:s22] =	ssyncadd.s32 $0xFFFFC000  }
0xc8: {  	[spmem:s1] =	stream.indirect.scatter.add.f32 [tilespmem:s20], [sflag:$0x3], $0x80, s29, s19, $0xb8;
	[tilespmem:$0x1F000] =	vst v63  }
0xc9: {  	s31 =	stileid.u32;
	_ =	swait.ge [sflag:s17], $0x4000  }
0xca: {  	s3 =	sadd.s32 $0x1, s3;
	s0 =	sshll.u32 s31, $0x6;
	[sflag:s17] =	ssyncset.done $0x0  }
0xcb: {  	p0 =	sne.s32 s3, s15;
	s0 =	sor.u32 $0x1C03, s0;
	[sflag:s17] =	ssyncadd.s32 $0xFFFFC000  }
.Ltmp3:
0xcc: {  	s2 =	sshrl.u32 s5, $0x3;
	[bflag:$0x0] =	sbarrier.arrive $0xFFFF;
	(pc) =	sbr.rel @p0 .LBB2_1-.Ltmp3, $4  }
0xcd: {  	[hbm:s14], [sflag:s0] =	dma.local [spmem:s2], $0x2800  }
0xce: {  	_ =	swait.ge [sflag:s17], $0x2800  }
0xcf: {  	[sflag:s17] =	ssyncset.done $0x0  }
0xd0: {  	[sflag:s17] =	ssyncadd.s32 $0xFFFFD800  }
0xd1: {  	_ =	sfence.sel $0x180000  }
0xd2: {  	[bflag:$0x0] =	sbarrier.arrive $0xFFFF  }
0xd3: {  	_ =	strace $0x90000047  }
0xd4: {  	s0 =	stileid.u32;
	[bflag:$0x2] =	sbarrier.arrive $0xFFFF  }
0xd5: {  	p0 =	sne.s32 s0, $0x0;
	s0 =	rddreg [dreg:$0x2]  }
0xd6: {  	s0 =	sadd.s32 @!p0 $0x100000, s0  }
0xd7: {  	[sflag:s0] =	ssyncadd.tile.s32 @!p0 $0x1;
	_ =	shalt  }
.Lfunc_end2:
_tile_overlayer_lowered:
.L_overlay_start_2:
0xd8: {  	(tag) =	ssettag $0x2  }
0xd9: {  	s0 =	rddreg [dreg:$0x0];
	s2 =	stileid.u32  }
0xda: {  	s1 =	rddreg [dreg:$0x1];
	p0 =	sne.s32 s2, $0x0  }
0xdb: {  	s3 =	rddreg [dreg:$0x2];
	[bflag:$0x3] =	sbarrier.arrive $0xFFFF;
	s2 =	simm.s32 @!p0 $0x1C03  }
0xdc: {  	[timem:s3], [sflag:s2] =	dma.local @!p0 [hbm:s0], s1  }
0xdd: {  	s0 =	simm.s32 @!p0 $0x3  }
0xde: {  	_ =	swait.ge @!p0 [sflag:s0], s1  }
0xdf: {  	s1 =	ssub.s32 @!p0 $0x0, s1;
	[sflag:s0] =	ssyncset.done @!p0 $0x0  }
0xe0: {  	[sflag:s0] =	ssyncadd.s32 @!p0 s1  }
0xe1: {  	[bflag:$0x3] =	sbarrier.arrive $0xFFFF  }
0xe2: {  	_ =	shalt  }

</sc_bundles>
